<compile_context>
chip_gen: v7x
topology: tpu7x:2x2x1
jax: 0.10.2.dev20260603
libtpu: 0.0.44.dev20260713+nightly
codegen_flags: <defaults>
</compile_context>

<pallas_src>
import functools

import jax
import jax.numpy as jnp
from jax import lax
from jax.experimental import pallas as pl
from jax.experimental.pallas import tpu as pltpu
from jax.experimental.pallas import tpu_sc as plsc

_B, _N, _H, _K = 4, 2048, 768, 256
_BIG = 2 ** 30


def _sc_gather_dir(t64, t32, ija, i64, i32):
    info = plsc.get_sparse_core_info()
    nc = info.num_cores
    mesh = plsc.VectorSubcoreMesh(core_axis_name="c", subcore_axis_name="s")

    @functools.partial(
        pl.kernel,
        mesh=mesh,
        out_type=jax.ShapeDtypeStruct((_B * 3 * _K, _H), jnp.float32),
        scratch_types=[
            pltpu.VMEM((64,), jnp.int32),
            pltpu.VMEM((64, _H), jnp.float32),
            pltpu.VMEM((32,), jnp.int32),
            pltpu.VMEM((32, _H), jnp.float32),
            pltpu.SemaphoreType.DMA,
        ],
    )
    def gk(t64_h, t32_h, ija_h, out_h, idx64, rows64, idx32, rows32, sem):
        w = lax.axis_index("s") * nc + lax.axis_index("c")
        b = w // 8
        r = w % 8
        slot = r // 4
        c4 = r % 4
        base = b * _N
        pltpu.sync_copy(ija_h.at[i64 + slot, b, pl.ds(c4 * 64, 64)], idx64)
        for i in range(4):
            idx64[pl.ds(i * 16, 16)] = idx64[pl.ds(i * 16, 16)] + base
        pltpu.async_copy(t64_h.at[idx64], rows64, sem).wait()
        pltpu.sync_copy(rows64, out_h.at[pl.ds((b * 3 + slot) * 256 + c4 * 64, 64)])
        pltpu.sync_copy(ija_h.at[i32, b, pl.ds(r * 32, 32)], idx32)
        for i in range(2):
            idx32[pl.ds(i * 16, 16)] = idx32[pl.ds(i * 16, 16)] + base
        pltpu.async_copy(t32_h.at[idx32], rows32, sem).wait()
        pltpu.sync_copy(rows32, out_h.at[pl.ds((b * 3 + 2) * 256 + r * 32, 32)])

    return gk(t64, t32, ija)


def _direction(Ha, Ho, Oo, Aa, asp_row, opi_row, wt_ref, b_col, o0):
    K, H, N = _K, _H, _N
    nt = (((1,), (1,)), ((), ()))
    hi = lax.Precision.HIGHEST
    lower = lax.broadcasted_iota(jnp.int32, (K, K), 1) < \
        lax.broadcasted_iota(jnp.int32, (K, K), 0)
    w_top_t = wt_ref[:, :H]
    w_bot_t = wt_ref[:, H:]
    asp_col = asp_row.reshape(K, 1)
    opi_col = opi_row.reshape(K, 1)
    st = lax.dot_general(Ho, Ha, nt, preferred_element_type=jnp.float32) * 0.01
    neqt = (opi_col != asp_row).astype(jnp.float32)
    ssct = st * neqt
    dup_o = jnp.any((opi_col == opi_row) & lower, axis=1, keepdims=True)
    colmask = jnp.where(dup_o, 0.0, 1.0)
    row_sum = jnp.sum(ssct * colmask, axis=0, keepdims=True)
    at = jnp.exp(ssct - row_sum) * neqt
    max_a = jnp.max(at, axis=0, keepdims=True)
    has = max_a > 0.0
    is_max = (at == max_a) & (neqt > 0.0) & has
    opi_b = jnp.broadcast_to(opi_col, (K, K))
    jstar = jnp.min(jnp.where(is_max, opi_b, _BIG), axis=0, keepdims=True)
    sel = (is_max & (opi_b == jstar)).astype(jnp.float32)
    cnt = jnp.sum(sel, axis=0, keepdims=True)
    proj_ot = lax.dot_general(w_bot_t, Oo, nt, preferred_element_type=jnp.float32)
    pselt = jnp.dot(proj_ot, sel, precision=hi,
                    preferred_element_type=jnp.float32) / jnp.maximum(cnt, 1.0)
    proj0t = lax.dot_general(w_bot_t, o0, nt, preferred_element_type=jnp.float32)
    pselt = jnp.where(has, pselt, jnp.broadcast_to(proj0t, (3, K)))
    g_at = lax.dot_general(w_top_t, Aa, nt, preferred_element_type=jnp.float32)
    lt = g_at + pselt + b_col
    dup_a = jnp.any((asp_col == asp_row) & lower, axis=1, keepdims=True)
    rowmask = jnp.where(dup_a, 0.0, 1.0)
    iota_kn = lax.broadcasted_iota(jnp.int32, (K, N), 1)
    oh = (asp_col == iota_kn).astype(jnp.float32) * rowmask
    return jnp.dot(lt, oh, precision=hi, preferred_element_type=jnp.float32)


def _tca_body(g_ref, ia_ref, ja_ref, wat_ref, bp_ref, ao0_ref, fl1_ref):
    fl1_ref[0] = _direction(g_ref[0, 0], g_ref[0, 1], g_ref[0, 2], g_ref[0, 0],
                            ia_ref[0], ja_ref[0], wat_ref,
                            bp_ref[0:3, 0:1], ao0_ref[0])


def _tcb_body(g_ref, io_ref, jo_ref, lab_ref, wot_ref, bp_ref, oo0_ref,
              fl1_ref, fl_ref, pred_ref, loss_ref):
    b = pl.program_id(0)
    N = _N
    fl2 = _direction(g_ref[0, 0], g_ref[0, 1], g_ref[0, 1], g_ref[0, 2],
                     io_ref[0], jo_ref[0], wot_ref,
                     bp_ref[0:3, 1:2], oo0_ref[0])
    fl = 0.5 * (fl1_ref[0] + fl2)
    valid = jnp.sum(jnp.abs(fl), axis=0, keepdims=True) > 0.0
    m = jnp.max(fl, axis=0, keepdims=True)
    ex = jnp.exp(fl - m)
    logp = fl - m - jnp.log(jnp.sum(ex, axis=0, keepdims=True))
    lab_row = lab_ref[0]
    nll = -jnp.where(lab_row == 0, logp[0:1, :],
                     jnp.where(lab_row == 1, logp[1:2, :], logp[2:3, :]))
    wlab = jnp.where(lab_row == 0, 1.0, jnp.where(lab_row == 1, 2.0, 4.0))
    wl = wlab * valid.astype(jnp.float32)
    loss_b = (jnp.sum(nll * wl) / jnp.maximum(jnp.sum(wl), 1e-6)).reshape(1, 1)
    f0, f1, f2 = fl[0:1, :], fl[1:2, :], fl[2:3, :]
    p01 = jnp.where(f1 > f0, 1, 0)
    pidx = jnp.where(f2 > jnp.maximum(f0, f1), 2, p01)
    pred = jnp.where(valid, pidx, -1)
    fl_ref[0] = fl
    pred_ref[0] = pred

    @pl.when(b == 0)
    def _():
        loss_ref[:, :] = jnp.zeros((1, 1), jnp.float32)

    loss_ref[:, :] += loss_b


_SPEC_G = pl.BlockSpec((1, 3, _K, _H), lambda b: (b, 0, 0, 0))
_SPEC_K = pl.BlockSpec((1, 1, _K), lambda b: (b, 0, 0))
_SPEC_N = pl.BlockSpec((1, 1, _N), lambda b: (b, 0, 0))
_SPEC_W = pl.BlockSpec((3, 2 * _H), lambda b: (0, 0))
_SPEC_BP = pl.BlockSpec((8, 128), lambda b: (0, 0))
_SPEC_H1 = pl.BlockSpec((1, 1, _H), lambda b: (b, 0, 0))
_SPEC_FL = pl.BlockSpec((1, 3, _N), lambda b: (b, 0, 0))

_TCA_IN_SPECS = [_SPEC_G, _SPEC_K, _SPEC_K, _SPEC_W, _SPEC_BP, _SPEC_H1]
_TCA_OUT_SPECS = _SPEC_FL
_TCA_OUT_SHAPE = jax.ShapeDtypeStruct((_B, 3, _N), jnp.float32)

_TCB_IN_SPECS = [_SPEC_G, _SPEC_K, _SPEC_K, _SPEC_N, _SPEC_W, _SPEC_BP,
                 _SPEC_H1, _SPEC_FL]
_TCB_OUT_SPECS = [
    _SPEC_FL,
    _SPEC_N,
    pl.BlockSpec((1, 1), lambda b: (0, 0)),
]
_TCB_OUT_SHAPE = [
    jax.ShapeDtypeStruct((_B, 3, _N), jnp.float32),
    jax.ShapeDtypeStruct((_B, 1, _N), jnp.int32),
    jax.ShapeDtypeStruct((1, 1), jnp.float32),
]


def kernel(A2O_aspect_hidden_states, A2O_opinion_hidden_states,
           O2A_aspect_hidden_states, O2A_opinion_hidden_states,
           W_A2O, b_A2O, W_O2A, b_O2A,
           asp_idx_a2o, opi_idx_a2o, asp_idx_o2a, opi_idx_o2a,
           sentiment_labels):
    aa, ao = A2O_aspect_hidden_states, A2O_opinion_hidden_states
    oa, oo = O2A_aspect_hidden_states, O2A_opinion_hidden_states
    ija = jnp.stack([asp_idx_a2o, opi_idx_a2o,
                     asp_idx_o2a, opi_idx_o2a]).astype(jnp.int32)
    ga = _sc_gather_dir(aa.reshape(_B * _N, _H), ao.reshape(_B * _N, _H),
                        ija, 0, 1).reshape(_B, 3, _K, _H)
    gb = _sc_gather_dir(oo.reshape(_B * _N, _H), oa.reshape(_B * _N, _H),
                        ija, 2, 2).reshape(_B, 3, _K, _H)
    bpad = jnp.zeros((8, 128), jnp.float32).at[:3, 0].set(b_A2O).at[:3, 1].set(b_O2A)
    fl1 = pl.pallas_call(
        _tca_body,
        grid=(_B,),
        in_specs=_TCA_IN_SPECS,
        out_specs=_TCA_OUT_SPECS,
        out_shape=_TCA_OUT_SHAPE,
    )(ga, ija[0].reshape(_B, 1, _K), ija[1].reshape(_B, 1, _K),
      W_A2O.T, bpad, ao[:, 0:1, :])
    fl_t, pred, loss = pl.pallas_call(
        _tcb_body,
        grid=(_B,),
        in_specs=_TCB_IN_SPECS,
        out_specs=_TCB_OUT_SPECS,
        out_shape=_TCB_OUT_SHAPE,
    )(gb, ija[2].reshape(_B, 1, _K), ija[3].reshape(_B, 1, _K),
      sentiment_labels.astype(jnp.int32).reshape(_B, 1, _N),
      W_O2A.T, bpad, oo[:, 0:1, :], fl1)
    return jnp.swapaxes(fl_t, 1, 2), pred.reshape(_B, _N), loss[0, 0]

# --- scband reference (transcript-rebuilt; emitter-appended) ---
"""Pipeline reference for scband-matching-module-5918464933937 (READ-ONLY COPY).

The authoritative reference and input builder live on the scoring server;
editing this copy changes nothing except your own understanding.
"""

import jax, jax.numpy as jnp
import numpy as np

B, N, H, K = 4, 2048, 768, 256


def setup_inputs(seed: int = 0) -> dict:
    key = jax.random.key(seed)
    ks = [jax.random.fold_in(key, i) for i in range(16)]
    inp = {}
    inp["A2O_aspect_hidden_states"] = jax.random.normal(ks[0], (B, N, H), dtype=jnp.float32)
    inp["A2O_opinion_hidden_states"] = jax.random.normal(ks[1], (B, N, H), dtype=jnp.float32)
    inp["O2A_aspect_hidden_states"] = jax.random.normal(ks[2], (B, N, H), dtype=jnp.float32)
    inp["O2A_opinion_hidden_states"] = jax.random.normal(ks[3], (B, N, H), dtype=jnp.float32)
    inp["W_A2O"] = jax.random.normal(ks[4], (2 * H, 3), dtype=jnp.float32) * 0.02
    inp["b_A2O"] = jnp.zeros((3,), jnp.float32)
    inp["W_O2A"] = jax.random.normal(ks[5], (2 * H, 3), dtype=jnp.float32) * 0.02
    inp["b_O2A"] = jnp.zeros((3,), jnp.float32)
    inp["asp_idx_a2o"] = jax.random.randint(ks[6], (B, K), 0, N)
    inp["opi_idx_a2o"] = jax.random.randint(ks[7], (B, K), 0, N)
    inp["asp_idx_o2a"] = jax.random.randint(ks[8], (B, K), 0, N)
    inp["opi_idx_o2a"] = jax.random.randint(ks[9], (B, K), 0, N)
    inp["sentiment_labels"] = jax.random.randint(ks[10], (B, N), 0, 3)
    return inp


def _matching(a_hs, o_hs, h, asp_idx, opi_idx):
    # score[i,j] = h[i].h[j]/100 only for (i,j) in asp x opi, i != j (torch loops)
    n = a_hs.shape[0]
    h_a = jnp.take(h, asp_idx, axis=0)
    h_o = jnp.take(h, opi_idx, axis=0)
    sub = (h_a @ h_o.T) / 100.0
    neq = (asp_idx[:, None] != opi_idx[None, :]).astype(a_hs.dtype)
    sub = sub * neq
    score = jnp.zeros((n, n), a_hs.dtype).at[asp_idx[:, None], opi_idx[None, :]].set(sub)
    pmask = jnp.zeros((n, n), a_hs.dtype).at[asp_idx[:, None], opi_idx[None, :]].set(neq)
    row_sum = jnp.sum(score, axis=-1, keepdims=True)
    # A[i,j] = exp(score[i,j]) / exp(sum(score[i])) only at masked pairs
    A = jnp.exp(score - row_sum) * pmask
    max_inds = jnp.argmax(A, axis=-1)
    rows = jnp.concatenate([a_hs, jnp.take(o_hs, max_inds, axis=0)], axis=-1)
    asp_mask = jnp.zeros((n,), a_hs.dtype).at[asp_idx].set(1.0)
    # scatter-overwrite: final[idx] = cat(a_hs[idx], o_hs[max_inds[idx]]); others stay zero
    final = rows * asp_mask[:, None]
    return final, asp_mask


def _forward(a2o_a, a2o_o, o2a_a, o2a_o, W_A2O, b_A2O, W_O2A, b_O2A,
             asp_a2o, opi_a2o, asp_o2a, opi_o2a, labels):
    def per_example(aa, ao, oa, oo, ia, ja, io, jo, lab):
        # T=2 (even): A2O scores use aspect hidden states, O2A scores use opinion hidden states
        f_a2o, m_a2o = _matching(aa, ao, aa, ia, ja)
        f_o2a, m_o2a = _matching(oa, oo, oo, io, jo)
        l_a2o = (f_a2o @ W_A2O + b_A2O) * m_a2o[:, None]
        l_o2a = (f_o2a @ W_O2A + b_O2A) * m_o2a[:, None]
        fl = 0.5 * (l_a2o + l_o2a)
        valid = (jnp.sum(jnp.abs(fl), axis=-1) > 0).astype(fl.dtype)
        w = jnp.array([1.0, 2.0, 4.0], fl.dtype)
        logp = jax.nn.log_softmax(fl, axis=-1)
        nll = -jnp.take_along_axis(logp, lab[:, None], axis=1)[:, 0]
        wl = w[lab] * valid
        loss = jnp.sum(nll * wl) / jnp.maximum(jnp.sum(wl), 1e-6)
        return fl, valid, loss

    fl, valid, loss = jax.vmap(per_example)(a2o_a, a2o_o, o2a_a, o2a_o,
                                            asp_a2o, opi_a2o, asp_o2a, opi_o2a, labels)
    lossS = jnp.sum(loss)
    predicts = jnp.where(valid > 0, jnp.argmax(fl, axis=-1), -1)
    return fl, predicts, lossS


def reference(A2O_aspect_hidden_states, A2O_opinion_hidden_states,
              O2A_aspect_hidden_states, O2A_opinion_hidden_states,
              W_A2O, b_A2O, W_O2A, b_O2A,
              asp_idx_a2o, opi_idx_a2o, asp_idx_o2a, opi_idx_o2a,
              sentiment_labels):
    return _forward(A2O_aspect_hidden_states, A2O_opinion_hidden_states,
                    O2A_aspect_hidden_states, O2A_opinion_hidden_states,
                    W_A2O, b_A2O, W_O2A, b_O2A,
                    asp_idx_a2o, opi_idx_a2o, asp_idx_o2a, opi_idx_o2a,
                    sentiment_labels)

if __name__ == "__main__":
    import jax
    _d = setup_inputs()
    print(jax.jit(kernel)(*tuple(_d.values())))

</pallas_src>

<mosaic_0001>
#map = affine_map<(d0, d1) -> (0, 0)>
#map1 = affine_map<(d0, d1) -> (0, 0, 0)>
module attributes {stable_mosaic.version = 14 : i64} {
  func.func @gk(%arg0: i32, %arg1: i32, %arg2: memref<8192x768xf32, #tpu.memory_space<hbm>>, %arg3: memref<8192x768xf32, #tpu.memory_space<hbm>>, %arg4: memref<4x4x256xi32, #tpu.memory_space<hbm>>, %arg5: memref<3072x768xf32, #tpu.memory_space<hbm>>, %arg6: memref<64xi32, #tpu.memory_space<vmem>>, %arg7: memref<64x768xf32, #tpu.memory_space<vmem>>, %arg8: memref<32xi32, #tpu.memory_space<vmem>>, %arg9: memref<32x768xf32, #tpu.memory_space<vmem>>, %arg10: memref<!tpu.dma_semaphore, #tpu.memory_space<semaphore_mem>>) attributes {dimension_semantics = [#tpu.dimension_semantics<core_parallel>, #tpu.dimension_semantics<subcore_parallel>], iteration_bounds = array<i64: 2, 16>, scalar_prefetch = 0 : i64, scratch_operands = 5 : i64, tpu.core_type = #tpu.core_type<sc_vector_subcore>, window_params = [{transform_indices = #map}, {transform_indices = #map}, {transform_indices = #map1}, {transform_indices = #map}]} {
    %mul3A = arith.constant 2 : i32
    %mul3A_0 = arith.muli %arg1, %mul3A : i32
    %add3A = arith.addi %mul3A_0, %arg0 : i32
    %jit3A = arith.constant 8 : i32
    %div3A = arith.divsi %add3A, %jit3A : i32
    %sign3A = arith.constant 0 : i32
    %sign3A_1 = arith.cmpi sgt, %add3A, %sign3A : i32
    %sign3A_2 = arith.extui %sign3A_1 : i1 to i32
    %sign3A_3 = arith.constant 0 : i32
    %sign3A_4 = arith.cmpi slt, %add3A, %sign3A_3 : i32
    %sign3A_5 = arith.extui %sign3A_4 : i1 to i32
    %sign3A_6 = arith.subi %sign3A_2, %sign3A_5 : i32
    %sign3A_7 = arith.constant 0 : i32
    %sign3A_8 = arith.cmpi sgt, %jit3A, %sign3A_7 : i32
    %sign3A_9 = arith.extui %sign3A_8 : i1 to i32
    %sign3A_10 = arith.constant 0 : i32
    %sign3A_11 = arith.cmpi slt, %jit3A, %sign3A_10 : i32
    %sign3A_12 = arith.extui %sign3A_11 : i1 to i32
    %sign3A_13 = arith.subi %sign3A_9, %sign3A_12 : i32
    %ne3A = arith.cmpi ne, %sign3A_6, %sign3A_13 : i32
    %rem3A = arith.remsi %add3A, %jit3A : i32
    %ne3A_14 = arith.constant 0 : i32
    %ne3A_15 = arith.cmpi ne, %rem3A, %ne3A_14 : i32
    %and3A = arith.andi %ne3A, %ne3A_15 : i1
    %sub3A = arith.constant 1 : i32
    %sub3A_16 = arith.subi %div3A, %sub3A : i32
    %select_n3A = arith.select %and3A, %sub3A_16, %div3A : i32
    %jit3A_17 = arith.constant 8 : i32
    %eq3A = arith.constant 0 : i32
    %eq3A_18 = arith.cmpi eq, %jit3A_17, %eq3A : i32
    %jit3A_19 = arith.constant 1 : i32
    %select_n3A_20 = arith.select %eq3A_18, %jit3A_19, %jit3A_17 : i32
    %rem3A_21 = arith.remsi %add3A, %select_n3A_20 : i32
    %ne3A_22 = arith.constant 0 : i32
    %ne3A_23 = arith.cmpi ne, %rem3A_21, %ne3A_22 : i32
    %lt3A = arith.constant 0 : i32
    %lt3A_24 = arith.cmpi slt, %rem3A_21, %lt3A : i32
    %lt3A_25 = arith.constant 0 : i32
    %lt3A_26 = arith.cmpi slt, %select_n3A_20, %lt3A_25 : i32
    %ne3A_27 = arith.xori %lt3A_24, %lt3A_26 : i1
    %and3A_28 = arith.andi %ne3A_27, %ne3A_23 : i1
    %add3A_29 = arith.addi %rem3A_21, %select_n3A_20 : i32
    %select_n3A_30 = arith.select %and3A_28, %add3A_29, %rem3A_21 : i32
    %jit3A_31 = arith.constant 4 : i32
    %div3A_32 = arith.divsi %select_n3A_30, %jit3A_31 : i32
    %sign3A_33 = arith.constant 0 : i32
    %sign3A_34 = arith.cmpi sgt, %select_n3A_30, %sign3A_33 : i32
    %sign3A_35 = arith.extui %sign3A_34 : i1 to i32
    %sign3A_36 = arith.constant 0 : i32
    %sign3A_37 = arith.cmpi slt, %select_n3A_30, %sign3A_36 : i32
    %sign3A_38 = arith.extui %sign3A_37 : i1 to i32
    %sign3A_39 = arith.subi %sign3A_35, %sign3A_38 : i32
    %sign3A_40 = arith.constant 0 : i32
    %sign3A_41 = arith.cmpi sgt, %jit3A_31, %sign3A_40 : i32
    %sign3A_42 = arith.extui %sign3A_41 : i1 to i32
    %sign3A_43 = arith.constant 0 : i32
    %sign3A_44 = arith.cmpi slt, %jit3A_31, %sign3A_43 : i32
    %sign3A_45 = arith.extui %sign3A_44 : i1 to i32
    %sign3A_46 = arith.subi %sign3A_42, %sign3A_45 : i32
    %ne3A_47 = arith.cmpi ne, %sign3A_39, %sign3A_46 : i32
    %rem3A_48 = arith.remsi %select_n3A_30, %jit3A_31 : i32
    %ne3A_49 = arith.constant 0 : i32
    %ne3A_50 = arith.cmpi ne, %rem3A_48, %ne3A_49 : i32
    %and3A_51 = arith.andi %ne3A_47, %ne3A_50 : i1
    %sub3A_52 = arith.constant 1 : i32
    %sub3A_53 = arith.subi %div3A_32, %sub3A_52 : i32
    %select_n3A_54 = arith.select %and3A_51, %sub3A_53, %div3A_32 : i32
    %jit3A_55 = arith.constant 4 : i32
    %eq3A_56 = arith.constant 0 : i32
    %eq3A_57 = arith.cmpi eq, %jit3A_55, %eq3A_56 : i32
    %jit3A_58 = arith.constant 1 : i32
    %select_n3A_59 = arith.select %eq3A_57, %jit3A_58, %jit3A_55 : i32
    %rem3A_60 = arith.remsi %select_n3A_30, %select_n3A_59 : i32
    %ne3A_61 = arith.constant 0 : i32
    %ne3A_62 = arith.cmpi ne, %rem3A_60, %ne3A_61 : i32
    %lt3A_63 = arith.constant 0 : i32
    %lt3A_64 = arith.cmpi slt, %rem3A_60, %lt3A_63 : i32
    %lt3A_65 = arith.constant 0 : i32
    %lt3A_66 = arith.cmpi slt, %select_n3A_59, %lt3A_65 : i32
    %ne3A_67 = arith.xori %lt3A_64, %lt3A_66 : i1
    %and3A_68 = arith.andi %ne3A_67, %ne3A_62 : i1
    %add3A_69 = arith.addi %rem3A_60, %select_n3A_59 : i32
    %select_n3A_70 = arith.select %and3A_68, %add3A_69, %rem3A_60 : i32
    %mul3A_71 = arith.constant 2048 : i32
    %mul3A_72 = arith.muli %select_n3A, %mul3A_71 : i32
    %add3A_73 = arith.constant 0 : i32
    %add3A_74 = arith.addi %add3A_73, %select_n3A_54 : i32
    %mul3A_75 = arith.constant 64 : i32
    %mul3A_76 = arith.muli %select_n3A_70, %mul3A_75 : i32
    "tpu.region"() ({
      %run_scoped3A_158 = tpu.sem_alloc : memref<!tpu.dma_semaphore, #tpu.memory_space<semaphore_mem>>
      %dma_start3A_159 = tpu.memref_slice %arg4[%add3A_74, %select_n3A, %mul3A_76] : memref<4x4x256xi32, #tpu.memory_space<hbm>> -> memref<1x1x64xi32, #tpu.memory_space<hbm>>
      %dma_start3A_160 = tpu.memref_squeeze %dma_start3A_159 : memref<1x1x64xi32, #tpu.memory_space<hbm>> -> memref<64xi32, #tpu.memory_space<hbm>>
      %dma_start3A_161 = tpu.memref_slice %arg4[%add3A_74, %select_n3A, %mul3A_76] : memref<4x4x256xi32, #tpu.memory_space<hbm>> -> memref<1x1x64xi32, #tpu.memory_space<hbm>>
      %dma_start3A_162 = tpu.memref_squeeze %dma_start3A_161 : memref<1x1x64xi32, #tpu.memory_space<hbm>> -> memref<64xi32, #tpu.memory_space<hbm>>
      tpu.enqueue_dma source(%dma_start3A_162 : memref<64xi32, #tpu.memory_space<hbm>>) target(%arg6 : memref<64xi32, #tpu.memory_space<vmem>>) target_semaphore(%run_scoped3A_158 : memref<!tpu.dma_semaphore, #tpu.memory_space<semaphore_mem>>)
      %dma_wait3A_163 = tpu.memref_slice %arg4[%add3A_74, %select_n3A, %mul3A_76] : memref<4x4x256xi32, #tpu.memory_space<hbm>> -> memref<1x1x64xi32, #tpu.memory_space<hbm>>
      %dma_wait3A_164 = tpu.memref_squeeze %dma_wait3A_163 : memref<1x1x64xi32, #tpu.memory_space<hbm>> -> memref<64xi32, #tpu.memory_space<hbm>>
      %dma_wait3A_165 = tpu.memref_slice %arg4[%add3A_74, %select_n3A, %mul3A_76] : memref<4x4x256xi32, #tpu.memory_space<hbm>> -> memref<1x1x64xi32, #tpu.memory_space<hbm>>
      %dma_wait3A_166 = tpu.memref_squeeze %dma_wait3A_165 : memref<1x1x64xi32, #tpu.memory_space<hbm>> -> memref<64xi32, #tpu.memory_space<hbm>>
      tpu.wait_dma2 semaphore(%run_scoped3A_158 : memref<!tpu.dma_semaphore, #tpu.memory_space<semaphore_mem>>) src(%dma_wait3A_166 : memref<64xi32, #tpu.memory_space<hbm>>) dst(%arg6 : memref<64xi32, #tpu.memory_space<vmem>>)
      tpu.yield
    }) : () -> ()
    %get3A = arith.constant 0 : index
    %get3A_77 = tpu.vector_load %arg6[%get3A] {strides = array<i32>} : memref<64xi32, #tpu.memory_space<vmem>>, vector<16xi32>,
    %get3A_78 = vector.shape_cast %get3A_77 : vector<16xi32> to vector<16xi32>
    %add3A_79 = vector.broadcast %mul3A_72 : i32 to vector<16xi32>
    %add3A_80 = arith.addi %get3A_78, %add3A_79 : vector<16xi32>
    %swap3A = arith.constant 0 : index
    %swap3A_81 = tpu.vector_load %arg6[%swap3A] {strides = array<i32>} : memref<64xi32, #tpu.memory_space<vmem>>, vector<16xi32>,
    %swap3A_82 = vector.shape_cast %swap3A_81 : vector<16xi32> to vector<16xi32>
    %swap3A_83 = vector.shape_cast %add3A_80 : vector<16xi32> to vector<16xi32>
    tpu.vector_store %arg6[%swap3A], %swap3A_83 {strides = array<i32>} : memref<64xi32, #tpu.memory_space<vmem>>, vector<16xi32>,
    %get3A_84 = arith.constant 16 : index
    %get3A_85 = tpu.vector_load %arg6[%get3A_84] {strides = array<i32>} : memref<64xi32, #tpu.memory_space<vmem>>, vector<16xi32>,
    %get3A_86 = vector.shape_cast %get3A_85 : vector<16xi32> to vector<16xi32>
    %add3A_87 = vector.broadcast %mul3A_72 : i32 to vector<16xi32>
    %add3A_88 = arith.addi %get3A_86, %add3A_87 : vector<16xi32>
    %swap3A_89 = arith.constant 16 : index
    %swap3A_90 = tpu.vector_load %arg6[%swap3A_89] {strides = array<i32>} : memref<64xi32, #tpu.memory_space<vmem>>, vector<16xi32>,
    %swap3A_91 = vector.shape_cast %swap3A_90 : vector<16xi32> to vector<16xi32>
    %swap3A_92 = vector.shape_cast %add3A_88 : vector<16xi32> to vector<16xi32>
    tpu.vector_store %arg6[%swap3A_89], %swap3A_92 {strides = array<i32>} : memref<64xi32, #tpu.memory_space<vmem>>, vector<16xi32>,
    %get3A_93 = arith.constant 32 : index
    %get3A_94 = tpu.vector_load %arg6[%get3A_93] {strides = array<i32>} : memref<64xi32, #tpu.memory_space<vmem>>, vector<16xi32>,
    %get3A_95 = vector.shape_cast %get3A_94 : vector<16xi32> to vector<16xi32>
    %add3A_96 = vector.broadcast %mul3A_72 : i32 to vector<16xi32>
    %add3A_97 = arith.addi %get3A_95, %add3A_96 : vector<16xi32>
    %swap3A_98 = arith.constant 32 : index
    %swap3A_99 = tpu.vector_load %arg6[%swap3A_98] {strides = array<i32>} : memref<64xi32, #tpu.memory_space<vmem>>, vector<16xi32>,
    %swap3A_100 = vector.shape_cast %swap3A_99 : vector<16xi32> to vector<16xi32>
    %swap3A_101 = vector.shape_cast %add3A_97 : vector<16xi32> to vector<16xi32>
    tpu.vector_store %arg6[%swap3A_98], %swap3A_101 {strides = array<i32>} : memref<64xi32, #tpu.memory_space<vmem>>, vector<16xi32>,
    %get3A_102 = arith.constant 48 : index
    %get3A_103 = tpu.vector_load %arg6[%get3A_102] {strides = array<i32>} : memref<64xi32, #tpu.memory_space<vmem>>, vector<16xi32>,
    %get3A_104 = vector.shape_cast %get3A_103 : vector<16xi32> to vector<16xi32>
    %add3A_105 = vector.broadcast %mul3A_72 : i32 to vector<16xi32>
    %add3A_106 = arith.addi %get3A_104, %add3A_105 : vector<16xi32>
    %swap3A_107 = arith.constant 48 : index
    %swap3A_108 = tpu.vector_load %arg6[%swap3A_107] {strides = array<i32>} : memref<64xi32, #tpu.memory_space<vmem>>, vector<16xi32>,
    %swap3A_109 = vector.shape_cast %swap3A_108 : vector<16xi32> to vector<16xi32>
    %swap3A_110 = vector.shape_cast %add3A_106 : vector<16xi32> to vector<16xi32>
    tpu.vector_store %arg6[%swap3A_107], %swap3A_110 {strides = array<i32>} : memref<64xi32, #tpu.memory_space<vmem>>, vector<16xi32>,
    %dma_start3A = arith.constant 0 : i32
    %dma_start3A_111 = arith.constant 0 : i32
    %dma_start3A_112 = tpu.memref_slice %arg2[%dma_start3A, %dma_start3A_111] : memref<8192x768xf32, #tpu.memory_space<hbm>> -> memref<8192x768xf32, #tpu.memory_space<hbm>>
    tpu.enqueue_indirect_dma source(%dma_start3A_112 : memref<8192x768xf32, #tpu.memory_space<hbm>>) target(%arg7 : memref<64x768xf32, #tpu.memory_space<vmem>>) offsets(%arg6 : memref<64xi32, #tpu.memory_space<vmem>>) semaphore(%arg10 : memref<!tpu.dma_semaphore, #tpu.memory_space<semaphore_mem>>)
    %dma_wait3A = arith.constant 0 : i32
    %dma_wait3A_113 = arith.constant 0 : i32
    %dma_wait3A_114 = tpu.memref_slice %arg2[%dma_wait3A, %dma_wait3A_113] : memref<8192x768xf32, #tpu.memory_space<hbm>> -> memref<8192x768xf32, #tpu.memory_space<hbm>>
    tpu.wait_indirect_dma semaphore(%arg10 : memref<!tpu.dma_semaphore, #tpu.memory_space<semaphore_mem>>) src(%dma_wait3A_114 : memref<8192x768xf32, #tpu.memory_space<hbm>>) dst(%arg7 : memref<64x768xf32, #tpu.memory_space<vmem>>)
    %mul3A_115 = arith.constant 3 : i32
    %mul3A_116 = arith.muli %select_n3A, %mul3A_115 : i32
    %add3A_117 = arith.addi %mul3A_116, %select_n3A_54 : i32
    %mul3A_118 = arith.constant 256 : i32
    %mul3A_119 = arith.muli %add3A_117, %mul3A_118 : i32
    %mul3A_120 = arith.constant 64 : i32
    %mul3A_121 = arith.muli %select_n3A_70, %mul3A_120 : i32
    %add3A_122 = arith.addi %mul3A_119, %mul3A_121 : i32
    "tpu.region"() ({
      %run_scoped3A_158 = tpu.sem_alloc : memref<!tpu.dma_semaphore, #tpu.memory_space<semaphore_mem>>
      %dma_start3A_159 = arith.constant 0 : i32
      %dma_start3A_160 = tpu.memref_slice %arg5[%add3A_122, %dma_start3A_159] : memref<3072x768xf32, #tpu.memory_space<hbm>> -> memref<64x768xf32, #tpu.memory_space<hbm>>
      %dma_start3A_161 = arith.constant 0 : i32
      %dma_start3A_162 = tpu.memref_slice %arg5[%add3A_122, %dma_start3A_161] : memref<3072x768xf32, #tpu.memory_space<hbm>> -> memref<64x768xf32, #tpu.memory_space<hbm>>
      tpu.enqueue_dma source(%arg7 : memref<64x768xf32, #tpu.memory_space<vmem>>) target(%dma_start3A_162 : memref<64x768xf32, #tpu.memory_space<hbm>>) target_semaphore(%run_scoped3A_158 : memref<!tpu.dma_semaphore, #tpu.memory_space<semaphore_mem>>)
      %dma_wait3A_163 = arith.constant 0 : i32
      %dma_wait3A_164 = tpu.memref_slice %arg5[%add3A_122, %dma_wait3A_163] : memref<3072x768xf32, #tpu.memory_space<hbm>> -> memref<64x768xf32, #tpu.memory_space<hbm>>
      %dma_wait3A_165 = arith.constant 0 : i32
      %dma_wait3A_166 = tpu.memref_slice %arg5[%add3A_122, %dma_wait3A_165] : memref<3072x768xf32, #tpu.memory_space<hbm>> -> memref<64x768xf32, #tpu.memory_space<hbm>>
      tpu.wait_dma2 semaphore(%run_scoped3A_158 : memref<!tpu.dma_semaphore, #tpu.memory_space<semaphore_mem>>) src(%arg7 : memref<64x768xf32, #tpu.memory_space<vmem>>) dst(%dma_wait3A_166 : memref<64x768xf32, #tpu.memory_space<hbm>>)
      tpu.yield
    }) : () -> ()
    %mul3A_123 = arith.constant 32 : i32
    %mul3A_124 = arith.muli %select_n3A_30, %mul3A_123 : i32
    %run_scoped3A = arith.constant 1 : i32
    "tpu.region"() ({
      %run_scoped3A_158 = tpu.sem_alloc : memref<!tpu.dma_semaphore, #tpu.memory_space<semaphore_mem>>
      %dma_start3A_159 = tpu.memref_slice %arg4[%run_scoped3A, %select_n3A, %mul3A_124] : memref<4x4x256xi32, #tpu.memory_space<hbm>> -> memref<1x1x32xi32, #tpu.memory_space<hbm>>
      %dma_start3A_160 = tpu.memref_squeeze %dma_start3A_159 : memref<1x1x32xi32, #tpu.memory_space<hbm>> -> memref<32xi32, #tpu.memory_space<hbm>>
      %dma_start3A_161 = tpu.memref_slice %arg4[%run_scoped3A, %select_n3A, %mul3A_124] : memref<4x4x256xi32, #tpu.memory_space<hbm>> -> memref<1x1x32xi32, #tpu.memory_space<hbm>>
      %dma_start3A_162 = tpu.memref_squeeze %dma_start3A_161 : memref<1x1x32xi32, #tpu.memory_space<hbm>> -> memref<32xi32, #tpu.memory_space<hbm>>
      tpu.enqueue_dma source(%dma_start3A_162 : memref<32xi32, #tpu.memory_space<hbm>>) target(%arg8 : memref<32xi32, #tpu.memory_space<vmem>>) target_semaphore(%run_scoped3A_158 : memref<!tpu.dma_semaphore, #tpu.memory_space<semaphore_mem>>)
      %dma_wait3A_163 = tpu.memref_slice %arg4[%run_scoped3A, %select_n3A, %mul3A_124] : memref<4x4x256xi32, #tpu.memory_space<hbm>> -> memref<1x1x32xi32, #tpu.memory_space<hbm>>
      %dma_wait3A_164 = tpu.memref_squeeze %dma_wait3A_163 : memref<1x1x32xi32, #tpu.memory_space<hbm>> -> memref<32xi32, #tpu.memory_space<hbm>>
      %dma_wait3A_165 = tpu.memref_slice %arg4[%run_scoped3A, %select_n3A, %mul3A_124] : memref<4x4x256xi32, #tpu.memory_space<hbm>> -> memref<1x1x32xi32, #tpu.memory_space<hbm>>
      %dma_wait3A_166 = tpu.memref_squeeze %dma_wait3A_165 : memref<1x1x32xi32, #tpu.memory_space<hbm>> -> memref<32xi32, #tpu.memory_space<hbm>>
      tpu.wait_dma2 semaphore(%run_scoped3A_158 : memref<!tpu.dma_semaphore, #tpu.memory_space<semaphore_mem>>) src(%dma_wait3A_166 : memref<32xi32, #tpu.memory_space<hbm>>) dst(%arg8 : memref<32xi32, #tpu.memory_space<vmem>>)
      tpu.yield
    }) : () -> ()
    %get3A_125 = arith.constant 0 : index
    %get3A_126 = tpu.vector_load %arg8[%get3A_125] {strides = array<i32>} : memref<32xi32, #tpu.memory_space<vmem>>, vector<16xi32>,
    %get3A_127 = vector.shape_cast %get3A_126 : vector<16xi32> to vector<16xi32>
    %add3A_128 = vector.broadcast %mul3A_72 : i32 to vector<16xi32>
    %add3A_129 = arith.addi %get3A_127, %add3A_128 : vector<16xi32>
    %swap3A_130 = arith.constant 0 : index
    %swap3A_131 = tpu.vector_load %arg8[%swap3A_130] {strides = array<i32>} : memref<32xi32, #tpu.memory_space<vmem>>, vector<16xi32>,
    %swap3A_132 = vector.shape_cast %swap3A_131 : vector<16xi32> to vector<16xi32>
    %swap3A_133 = vector.shape_cast %add3A_129 : vector<16xi32> to vector<16xi32>
    tpu.vector_store %arg8[%swap3A_130], %swap3A_133 {strides = array<i32>} : memref<32xi32, #tpu.memory_space<vmem>>, vector<16xi32>,
    %get3A_134 = arith.constant 16 : index
    %get3A_135 = tpu.vector_load %arg8[%get3A_134] {strides = array<i32>} : memref<32xi32, #tpu.memory_space<vmem>>, vector<16xi32>,
    %get3A_136 = vector.shape_cast %get3A_135 : vector<16xi32> to vector<16xi32>
    %add3A_137 = vector.broadcast %mul3A_72 : i32 to vector<16xi32>
    %add3A_138 = arith.addi %get3A_136, %add3A_137 : vector<16xi32>
    %swap3A_139 = arith.constant 16 : index
    %swap3A_140 = tpu.vector_load %arg8[%swap3A_139] {strides = array<i32>} : memref<32xi32, #tpu.memory_space<vmem>>, vector<16xi32>,
    %swap3A_141 = vector.shape_cast %swap3A_140 : vector<16xi32> to vector<16xi32>
    %swap3A_142 = vector.shape_cast %add3A_138 : vector<16xi32> to vector<16xi32>
    tpu.vector_store %arg8[%swap3A_139], %swap3A_142 {strides = array<i32>} : memref<32xi32, #tpu.memory_space<vmem>>, vector<16xi32>,
    %dma_start3A_143 = arith.constant 0 : i32
    %dma_start3A_144 = arith.constant 0 : i32
    %dma_start3A_145 = tpu.memref_slice %arg3[%dma_start3A_143, %dma_start3A_144] : memref<8192x768xf32, #tpu.memory_space<hbm>> -> memref<8192x768xf32, #tpu.memory_space<hbm>>
    tpu.enqueue_indirect_dma source(%dma_start3A_145 : memref<8192x768xf32, #tpu.memory_space<hbm>>) target(%arg9 : memref<32x768xf32, #tpu.memory_space<vmem>>) offsets(%arg8 : memref<32xi32, #tpu.memory_space<vmem>>) semaphore(%arg10 : memref<!tpu.dma_semaphore, #tpu.memory_space<semaphore_mem>>)
    %dma_wait3A_146 = arith.constant 0 : i32
    %dma_wait3A_147 = arith.constant 0 : i32
    %dma_wait3A_148 = tpu.memref_slice %arg3[%dma_wait3A_146, %dma_wait3A_147] : memref<8192x768xf32, #tpu.memory_space<hbm>> -> memref<8192x768xf32, #tpu.memory_space<hbm>>
    tpu.wait_indirect_dma semaphore(%arg10 : memref<!tpu.dma_semaphore, #tpu.memory_space<semaphore_mem>>) src(%dma_wait3A_148 : memref<8192x768xf32, #tpu.memory_space<hbm>>) dst(%arg9 : memref<32x768xf32, #tpu.memory_space<vmem>>)
    %mul3A_149 = arith.constant 3 : i32
    %mul3A_150 = arith.muli %select_n3A, %mul3A_149 : i32
    %add3A_151 = arith.constant 2 : i32
    %add3A_152 = arith.addi %mul3A_150, %add3A_151 : i32
    %mul3A_153 = arith.constant 256 : i32
    %mul3A_154 = arith.muli %add3A_152, %mul3A_153 : i32
    %mul3A_155 = arith.constant 32 : i32
    %mul3A_156 = arith.muli %select_n3A_30, %mul3A_155 : i32
    %add3A_157 = arith.addi %mul3A_154, %mul3A_156 : i32
    "tpu.region"() ({
      %run_scoped3A_158 = tpu.sem_alloc : memref<!tpu.dma_semaphore, #tpu.memory_space<semaphore_mem>>
      %dma_start3A_159 = arith.constant 0 : i32
      %dma_start3A_160 = tpu.memref_slice %arg5[%add3A_157, %dma_start3A_159] : memref<3072x768xf32, #tpu.memory_space<hbm>> -> memref<32x768xf32, #tpu.memory_space<hbm>>
      %dma_start3A_161 = arith.constant 0 : i32
      %dma_start3A_162 = tpu.memref_slice %arg5[%add3A_157, %dma_start3A_161] : memref<3072x768xf32, #tpu.memory_space<hbm>> -> memref<32x768xf32, #tpu.memory_space<hbm>>
      tpu.enqueue_dma source(%arg9 : memref<32x768xf32, #tpu.memory_space<vmem>>) target(%dma_start3A_162 : memref<32x768xf32, #tpu.memory_space<hbm>>) target_semaphore(%run_scoped3A_158 : memref<!tpu.dma_semaphore, #tpu.memory_space<semaphore_mem>>)
      %dma_wait3A_163 = arith.constant 0 : i32
      %dma_wait3A_164 = tpu.memref_slice %arg5[%add3A_157, %dma_wait3A_163] : memref<3072x768xf32, #tpu.memory_space<hbm>> -> memref<32x768xf32, #tpu.memory_space<hbm>>
      %dma_wait3A_165 = arith.constant 0 : i32
      %dma_wait3A_166 = tpu.memref_slice %arg5[%add3A_157, %dma_wait3A_165] : memref<3072x768xf32, #tpu.memory_space<hbm>> -> memref<32x768xf32, #tpu.memory_space<hbm>>
      tpu.wait_dma2 semaphore(%run_scoped3A_158 : memref<!tpu.dma_semaphore, #tpu.memory_space<semaphore_mem>>) src(%arg9 : memref<32x768xf32, #tpu.memory_space<vmem>>) dst(%dma_wait3A_166 : memref<32x768xf32, #tpu.memory_space<hbm>>)
      tpu.yield
    }) : () -> ()
    return
  }
}

#map = affine_map<(d0, d1) -> (0, 0)>
#map1 = affine_map<(d0, d1) -> (0, 0, 0)>
module attributes {stable_mosaic.version = 14 : i64} {
  func.func @gk(%arg0: i32, %arg1: i32, %arg2: memref<8192x768xf32, #tpu.memory_space<hbm>>, %arg3: memref<8192x768xf32, #tpu.memory_space<hbm>>, %arg4: memref<4x4x256xi32, #tpu.memory_space<hbm>>, %arg5: memref<3072x768xf32, #tpu.memory_space<hbm>>, %arg6: memref<64xi32, #tpu.memory_space<vmem>>, %arg7: memref<64x768xf32, #tpu.memory_space<vmem>>, %arg8: memref<32xi32, #tpu.memory_space<vmem>>, %arg9: memref<32x768xf32, #tpu.memory_space<vmem>>, %arg10: memref<!tpu.dma_semaphore, #tpu.memory_space<semaphore_mem>>) attributes {dimension_semantics = [#tpu.dimension_semantics<core_parallel>, #tpu.dimension_semantics<subcore_parallel>], iteration_bounds = array<i64: 2, 16>, scalar_prefetch = 0 : i64, scratch_operands = 5 : i64, tpu.core_type = #tpu.core_type<sc_vector_subcore>, window_params = [{transform_indices = #map}, {transform_indices = #map}, {transform_indices = #map1}, {transform_indices = #map}]} {
    %mul3A = arith.constant 2 : i32
    %mul3A_0 = arith.muli %arg1, %mul3A : i32
    %add3A = arith.addi %mul3A_0, %arg0 : i32
    %jit3A = arith.constant 8 : i32
    %div3A = arith.divsi %add3A, %jit3A : i32
    %sign3A = arith.constant 0 : i32
    %sign3A_1 = arith.cmpi sgt, %add3A, %sign3A : i32
    %sign3A_2 = arith.extui %sign3A_1 : i1 to i32
    %sign3A_3 = arith.constant 0 : i32
    %sign3A_4 = arith.cmpi slt, %add3A, %sign3A_3 : i32
    %sign3A_5 = arith.extui %sign3A_4 : i1 to i32
    %sign3A_6 = arith.subi %sign3A_2, %sign3A_5 : i32
    %sign3A_7 = arith.constant 0 : i32
    %sign3A_8 = arith.cmpi sgt, %jit3A, %sign3A_7 : i32
    %sign3A_9 = arith.extui %sign3A_8 : i1 to i32
    %sign3A_10 = arith.constant 0 : i32
    %sign3A_11 = arith.cmpi slt, %jit3A, %sign3A_10 : i32
    %sign3A_12 = arith.extui %sign3A_11 : i1 to i32
    %sign3A_13 = arith.subi %sign3A_9, %sign3A_12 : i32
    %ne3A = arith.cmpi ne, %sign3A_6, %sign3A_13 : i32
    %rem3A = arith.remsi %add3A, %jit3A : i32
    %ne3A_14 = arith.constant 0 : i32
    %ne3A_15 = arith.cmpi ne, %rem3A, %ne3A_14 : i32
    %and3A = arith.andi %ne3A, %ne3A_15 : i1
    %sub3A = arith.constant 1 : i32
    %sub3A_16 = arith.subi %div3A, %sub3A : i32
    %select_n3A = arith.select %and3A, %sub3A_16, %div3A : i32
    %jit3A_17 = arith.constant 8 : i32
    %eq3A = arith.constant 0 : i32
    %eq3A_18 = arith.cmpi eq, %jit3A_17, %eq3A : i32
    %jit3A_19 = arith.constant 1 : i32
    %select_n3A_20 = arith.select %eq3A_18, %jit3A_19, %jit3A_17 : i32
    %rem3A_21 = arith.remsi %add3A, %select_n3A_20 : i32
    %ne3A_22 = arith.constant 0 : i32
    %ne3A_23 = arith.cmpi ne, %rem3A_21, %ne3A_22 : i32
    %lt3A = arith.constant 0 : i32
    %lt3A_24 = arith.cmpi slt, %rem3A_21, %lt3A : i32
    %lt3A_25 = arith.constant 0 : i32
    %lt3A_26 = arith.cmpi slt, %select_n3A_20, %lt3A_25 : i32
    %ne3A_27 = arith.xori %lt3A_24, %lt3A_26 : i1
    %and3A_28 = arith.andi %ne3A_27, %ne3A_23 : i1
    %add3A_29 = arith.addi %rem3A_21, %select_n3A_20 : i32
    %select_n3A_30 = arith.select %and3A_28, %add3A_29, %rem3A_21 : i32
    %jit3A_31 = arith.constant 4 : i32
    %div3A_32 = arith.divsi %select_n3A_30, %jit3A_31 : i32
    %sign3A_33 = arith.constant 0 : i32
    %sign3A_34 = arith.cmpi sgt, %select_n3A_30, %sign3A_33 : i32
    %sign3A_35 = arith.extui %sign3A_34 : i1 to i32
    %sign3A_36 = arith.constant 0 : i32
    %sign3A_37 = arith.cmpi slt, %select_n3A_30, %sign3A_36 : i32
    %sign3A_38 = arith.extui %sign3A_37 : i1 to i32
    %sign3A_39 = arith.subi %sign3A_35, %sign3A_38 : i32
    %sign3A_40 = arith.constant 0 : i32
    %sign3A_41 = arith.cmpi sgt, %jit3A_31, %sign3A_40 : i32
    %sign3A_42 = arith.extui %sign3A_41 : i1 to i32
    %sign3A_43 = arith.constant 0 : i32
    %sign3A_44 = arith.cmpi slt, %jit3A_31, %sign3A_43 : i32
    %sign3A_45 = arith.extui %sign3A_44 : i1 to i32
    %sign3A_46 = arith.subi %sign3A_42, %sign3A_45 : i32
    %ne3A_47 = arith.cmpi ne, %sign3A_39, %sign3A_46 : i32
    %rem3A_48 = arith.remsi %select_n3A_30, %jit3A_31 : i32
    %ne3A_49 = arith.constant 0 : i32
    %ne3A_50 = arith.cmpi ne, %rem3A_48, %ne3A_49 : i32
    %and3A_51 = arith.andi %ne3A_47, %ne3A_50 : i1
    %sub3A_52 = arith.constant 1 : i32
    %sub3A_53 = arith.subi %div3A_32, %sub3A_52 : i32
    %select_n3A_54 = arith.select %and3A_51, %sub3A_53, %div3A_32 : i32
    %jit3A_55 = arith.constant 4 : i32
    %eq3A_56 = arith.constant 0 : i32
    %eq3A_57 = arith.cmpi eq, %jit3A_55, %eq3A_56 : i32
    %jit3A_58 = arith.constant 1 : i32
    %select_n3A_59 = arith.select %eq3A_57, %jit3A_58, %jit3A_55 : i32
    %rem3A_60 = arith.remsi %select_n3A_30, %select_n3A_59 : i32
    %ne3A_61 = arith.constant 0 : i32
    %ne3A_62 = arith.cmpi ne, %rem3A_60, %ne3A_61 : i32
    %lt3A_63 = arith.constant 0 : i32
    %lt3A_64 = arith.cmpi slt, %rem3A_60, %lt3A_63 : i32
    %lt3A_65 = arith.constant 0 : i32
    %lt3A_66 = arith.cmpi slt, %select_n3A_59, %lt3A_65 : i32
    %ne3A_67 = arith.xori %lt3A_64, %lt3A_66 : i1
    %and3A_68 = arith.andi %ne3A_67, %ne3A_62 : i1
    %add3A_69 = arith.addi %rem3A_60, %select_n3A_59 : i32
    %select_n3A_70 = arith.select %and3A_68, %add3A_69, %rem3A_60 : i32
    %mul3A_71 = arith.constant 2048 : i32
    %mul3A_72 = arith.muli %select_n3A, %mul3A_71 : i32
    %add3A_73 = arith.constant 2 : i32
    %add3A_74 = arith.addi %add3A_73, %select_n3A_54 : i32
    %mul3A_75 = arith.constant 64 : i32
    %mul3A_76 = arith.muli %select_n3A_70, %mul3A_75 : i32
    "tpu.region"() ({
      %run_scoped3A_158 = tpu.sem_alloc : memref<!tpu.dma_semaphore, #tpu.memory_space<semaphore_mem>>
      %dma_start3A_159 = tpu.memref_slice %arg4[%add3A_74, %select_n3A, %mul3A_76] : memref<4x4x256xi32, #tpu.memory_space<hbm>> -> memref<1x1x64xi32, #tpu.memory_space<hbm>>
      %dma_start3A_160 = tpu.memref_squeeze %dma_start3A_159 : memref<1x1x64xi32, #tpu.memory_space<hbm>> -> memref<64xi32, #tpu.memory_space<hbm>>
      %dma_start3A_161 = tpu.memref_slice %arg4[%add3A_74, %select_n3A, %mul3A_76] : memref<4x4x256xi32, #tpu.memory_space<hbm>> -> memref<1x1x64xi32, #tpu.memory_space<hbm>>
      %dma_start3A_162 = tpu.memref_squeeze %dma_start3A_161 : memref<1x1x64xi32, #tpu.memory_space<hbm>> -> memref<64xi32, #tpu.memory_space<hbm>>
      tpu.enqueue_dma source(%dma_start3A_162 : memref<64xi32, #tpu.memory_space<hbm>>) target(%arg6 : memref<64xi32, #tpu.memory_space<vmem>>) target_semaphore(%run_scoped3A_158 : memref<!tpu.dma_semaphore, #tpu.memory_space<semaphore_mem>>)
      %dma_wait3A_163 = tpu.memref_slice %arg4[%add3A_74, %select_n3A, %mul3A_76] : memref<4x4x256xi32, #tpu.memory_space<hbm>> -> memref<1x1x64xi32, #tpu.memory_space<hbm>>
      %dma_wait3A_164 = tpu.memref_squeeze %dma_wait3A_163 : memref<1x1x64xi32, #tpu.memory_space<hbm>> -> memref<64xi32, #tpu.memory_space<hbm>>
      %dma_wait3A_165 = tpu.memref_slice %arg4[%add3A_74, %select_n3A, %mul3A_76] : memref<4x4x256xi32, #tpu.memory_space<hbm>> -> memref<1x1x64xi32, #tpu.memory_space<hbm>>
      %dma_wait3A_166 = tpu.memref_squeeze %dma_wait3A_165 : memref<1x1x64xi32, #tpu.memory_space<hbm>> -> memref<64xi32, #tpu.memory_space<hbm>>
      tpu.wait_dma2 semaphore(%run_scoped3A_158 : memref<!tpu.dma_semaphore, #tpu.memory_space<semaphore_mem>>) src(%dma_wait3A_166 : memref<64xi32, #tpu.memory_space<hbm>>) dst(%arg6 : memref<64xi32, #tpu.memory_space<vmem>>)
      tpu.yield
    }) : () -> ()
    %get3A = arith.constant 0 : index
    %get3A_77 = tpu.vector_load %arg6[%get3A] {strides = array<i32>} : memref<64xi32, #tpu.memory_space<vmem>>, vector<16xi32>,
    %get3A_78 = vector.shape_cast %get3A_77 : vector<16xi32> to vector<16xi32>
    %add3A_79 = vector.broadcast %mul3A_72 : i32 to vector<16xi32>
    %add3A_80 = arith.addi %get3A_78, %add3A_79 : vector<16xi32>
    %swap3A = arith.constant 0 : index
    %swap3A_81 = tpu.vector_load %arg6[%swap3A] {strides = array<i32>} : memref<64xi32, #tpu.memory_space<vmem>>, vector<16xi32>,
    %swap3A_82 = vector.shape_cast %swap3A_81 : vector<16xi32> to vector<16xi32>
    %swap3A_83 = vector.shape_cast %add3A_80 : vector<16xi32> to vector<16xi32>
    tpu.vector_store %arg6[%swap3A], %swap3A_83 {strides = array<i32>} : memref<64xi32, #tpu.memory_space<vmem>>, vector<16xi32>,
    %get3A_84 = arith.constant 16 : index
    %get3A_85 = tpu.vector_load %arg6[%get3A_84] {strides = array<i32>} : memref<64xi32, #tpu.memory_space<vmem>>, vector<16xi32>,
    %get3A_86 = vector.shape_cast %get3A_85 : vector<16xi32> to vector<16xi32>
    %add3A_87 = vector.broadcast %mul3A_72 : i32 to vector<16xi32>
    %add3A_88 = arith.addi %get3A_86, %add3A_87 : vector<16xi32>
    %swap3A_89 = arith.constant 16 : index
    %swap3A_90 = tpu.vector_load %arg6[%swap3A_89] {strides = array<i32>} : memref<64xi32, #tpu.memory_space<vmem>>, vector<16xi32>,
    %swap3A_91 = vector.shape_cast %swap3A_90 : vector<16xi32> to vector<16xi32>
    %swap3A_92 = vector.shape_cast %add3A_88 : vector<16xi32> to vector<16xi32>
    tpu.vector_store %arg6[%swap3A_89], %swap3A_92 {strides = array<i32>} : memref<64xi32, #tpu.memory_space<vmem>>, vector<16xi32>,
    %get3A_93 = arith.constant 32 : index
    %get3A_94 = tpu.vector_load %arg6[%get3A_93] {strides = array<i32>} : memref<64xi32, #tpu.memory_space<vmem>>, vector<16xi32>,
    %get3A_95 = vector.shape_cast %get3A_94 : vector<16xi32> to vector<16xi32>
    %add3A_96 = vector.broadcast %mul3A_72 : i32 to vector<16xi32>
    %add3A_97 = arith.addi %get3A_95, %add3A_96 : vector<16xi32>
    %swap3A_98 = arith.constant 32 : index
    %swap3A_99 = tpu.vector_load %arg6[%swap3A_98] {strides = array<i32>} : memref<64xi32, #tpu.memory_space<vmem>>, vector<16xi32>,
    %swap3A_100 = vector.shape_cast %swap3A_99 : vector<16xi32> to vector<16xi32>
    %swap3A_101 = vector.shape_cast %add3A_97 : vector<16xi32> to vector<16xi32>
    tpu.vector_store %arg6[%swap3A_98], %swap3A_101 {strides = array<i32>} : memref<64xi32, #tpu.memory_space<vmem>>, vector<16xi32>,
    %get3A_102 = arith.constant 48 : index
    %get3A_103 = tpu.vector_load %arg6[%get3A_102] {strides = array<i32>} : memref<64xi32, #tpu.memory_space<vmem>>, vector<16xi32>,
    %get3A_104 = vector.shape_cast %get3A_103 : vector<16xi32> to vector<16xi32>
    %add3A_105 = vector.broadcast %mul3A_72 : i32 to vector<16xi32>
    %add3A_106 = arith.addi %get3A_104, %add3A_105 : vector<16xi32>
    %swap3A_107 = arith.constant 48 : index
    %swap3A_108 = tpu.vector_load %arg6[%swap3A_107] {strides = array<i32>} : memref<64xi32, #tpu.memory_space<vmem>>, vector<16xi32>,
    %swap3A_109 = vector.shape_cast %swap3A_108 : vector<16xi32> to vector<16xi32>
    %swap3A_110 = vector.shape_cast %add3A_106 : vector<16xi32> to vector<16xi32>
    tpu.vector_store %arg6[%swap3A_107], %swap3A_110 {strides = array<i32>} : memref<64xi32, #tpu.memory_space<vmem>>, vector<16xi32>,
    %dma_start3A = arith.constant 0 : i32
    %dma_start3A_111 = arith.constant 0 : i32
    %dma_start3A_112 = tpu.memref_slice %arg2[%dma_start3A, %dma_start3A_111] : memref<8192x768xf32, #tpu.memory_space<hbm>> -> memref<8192x768xf32, #tpu.memory_space<hbm>>
    tpu.enqueue_indirect_dma source(%dma_start3A_112 : memref<8192x768xf32, #tpu.memory_space<hbm>>) target(%arg7 : memref<64x768xf32, #tpu.memory_space<vmem>>) offsets(%arg6 : memref<64xi32, #tpu.memory_space<vmem>>) semaphore(%arg10 : memref<!tpu.dma_semaphore, #tpu.memory_space<semaphore_mem>>)
    %dma_wait3A = arith.constant 0 : i32
    %dma_wait3A_113 = arith.constant 0 : i32
    %dma_wait3A_114 = tpu.memref_slice %arg2[%dma_wait3A, %dma_wait3A_113] : memref<8192x768xf32, #tpu.memory_space<hbm>> -> memref<8192x768xf32, #tpu.memory_space<hbm>>
    tpu.wait_indirect_dma semaphore(%arg10 : memref<!tpu.dma_semaphore, #tpu.memory_space<semaphore_mem>>) src(%dma_wait3A_114 : memref<8192x768xf32, #tpu.memory_space<hbm>>) dst(%arg7 : memref<64x768xf32, #tpu.memory_space<vmem>>)
    %mul3A_115 = arith.constant 3 : i32
    %mul3A_116 = arith.muli %select_n3A, %mul3A_115 : i32
    %add3A_117 = arith.addi %mul3A_116, %select_n3A_54 : i32
    %mul3A_118 = arith.constant 256 : i32
    %mul3A_119 = arith.muli %add3A_117, %mul3A_118 : i32
    %mul3A_120 = arith.constant 64 : i32
    %mul3A_121 = arith.muli %select_n3A_70, %mul3A_120 : i32
    %add3A_122 = arith.addi %mul3A_119, %mul3A_121 : i32
    "tpu.region"() ({
      %run_scoped3A_158 = tpu.sem_alloc : memref<!tpu.dma_semaphore, #tpu.memory_space<semaphore_mem>>
      %dma_start3A_159 = arith.constant 0 : i32
      %dma_start3A_160 = tpu.memref_slice %arg5[%add3A_122, %dma_start3A_159] : memref<3072x768xf32, #tpu.memory_space<hbm>> -> memref<64x768xf32, #tpu.memory_space<hbm>>
      %dma_start3A_161 = arith.constant 0 : i32
      %dma_start3A_162 = tpu.memref_slice %arg5[%add3A_122, %dma_start3A_161] : memref<3072x768xf32, #tpu.memory_space<hbm>> -> memref<64x768xf32, #tpu.memory_space<hbm>>
      tpu.enqueue_dma source(%arg7 : memref<64x768xf32, #tpu.memory_space<vmem>>) target(%dma_start3A_162 : memref<64x768xf32, #tpu.memory_space<hbm>>) target_semaphore(%run_scoped3A_158 : memref<!tpu.dma_semaphore, #tpu.memory_space<semaphore_mem>>)
      %dma_wait3A_163 = arith.constant 0 : i32
      %dma_wait3A_164 = tpu.memref_slice %arg5[%add3A_122, %dma_wait3A_163] : memref<3072x768xf32, #tpu.memory_space<hbm>> -> memref<64x768xf32, #tpu.memory_space<hbm>>
      %dma_wait3A_165 = arith.constant 0 : i32
      %dma_wait3A_166 = tpu.memref_slice %arg5[%add3A_122, %dma_wait3A_165] : memref<3072x768xf32, #tpu.memory_space<hbm>> -> memref<64x768xf32, #tpu.memory_space<hbm>>
      tpu.wait_dma2 semaphore(%run_scoped3A_158 : memref<!tpu.dma_semaphore, #tpu.memory_space<semaphore_mem>>) src(%arg7 : memref<64x768xf32, #tpu.memory_space<vmem>>) dst(%dma_wait3A_166 : memref<64x768xf32, #tpu.memory_space<hbm>>)
      tpu.yield
    }) : () -> ()
    %mul3A_123 = arith.constant 32 : i32
    %mul3A_124 = arith.muli %select_n3A_30, %mul3A_123 : i32
    %run_scoped3A = arith.constant 2 : i32
    "tpu.region"() ({
      %run_scoped3A_158 = tpu.sem_alloc : memref<!tpu.dma_semaphore, #tpu.memory_space<semaphore_mem>>
      %dma_start3A_159 = tpu.memref_slice %arg4[%run_scoped3A, %select_n3A, %mul3A_124] : memref<4x4x256xi32, #tpu.memory_space<hbm>> -> memref<1x1x32xi32, #tpu.memory_space<hbm>>
      %dma_start3A_160 = tpu.memref_squeeze %dma_start3A_159 : memref<1x1x32xi32, #tpu.memory_space<hbm>> -> memref<32xi32, #tpu.memory_space<hbm>>
      %dma_start3A_161 = tpu.memref_slice %arg4[%run_scoped3A, %select_n3A, %mul3A_124] : memref<4x4x256xi32, #tpu.memory_space<hbm>> -> memref<1x1x32xi32, #tpu.memory_space<hbm>>
      %dma_start3A_162 = tpu.memref_squeeze %dma_start3A_161 : memref<1x1x32xi32, #tpu.memory_space<hbm>> -> memref<32xi32, #tpu.memory_space<hbm>>
      tpu.enqueue_dma source(%dma_start3A_162 : memref<32xi32, #tpu.memory_space<hbm>>) target(%arg8 : memref<32xi32, #tpu.memory_space<vmem>>) target_semaphore(%run_scoped3A_158 : memref<!tpu.dma_semaphore, #tpu.memory_space<semaphore_mem>>)
      %dma_wait3A_163 = tpu.memref_slice %arg4[%run_scoped3A, %select_n3A, %mul3A_124] : memref<4x4x256xi32, #tpu.memory_space<hbm>> -> memref<1x1x32xi32, #tpu.memory_space<hbm>>
      %dma_wait3A_164 = tpu.memref_squeeze %dma_wait3A_163 : memref<1x1x32xi32, #tpu.memory_space<hbm>> -> memref<32xi32, #tpu.memory_space<hbm>>
      %dma_wait3A_165 = tpu.memref_slice %arg4[%run_scoped3A, %select_n3A, %mul3A_124] : memref<4x4x256xi32, #tpu.memory_space<hbm>> -> memref<1x1x32xi32, #tpu.memory_space<hbm>>
      %dma_wait3A_166 = tpu.memref_squeeze %dma_wait3A_165 : memref<1x1x32xi32, #tpu.memory_space<hbm>> -> memref<32xi32, #tpu.memory_space<hbm>>
      tpu.wait_dma2 semaphore(%run_scoped3A_158 : memref<!tpu.dma_semaphore, #tpu.memory_space<semaphore_mem>>) src(%dma_wait3A_166 : memref<32xi32, #tpu.memory_space<hbm>>) dst(%arg8 : memref<32xi32, #tpu.memory_space<vmem>>)
      tpu.yield
    }) : () -> ()
    %get3A_125 = arith.constant 0 : index
    %get3A_126 = tpu.vector_load %arg8[%get3A_125] {strides = array<i32>} : memref<32xi32, #tpu.memory_space<vmem>>, vector<16xi32>,
    %get3A_127 = vector.shape_cast %get3A_126 : vector<16xi32> to vector<16xi32>
    %add3A_128 = vector.broadcast %mul3A_72 : i32 to vector<16xi32>
    %add3A_129 = arith.addi %get3A_127, %add3A_128 : vector<16xi32>
    %swap3A_130 = arith.constant 0 : index
    %swap3A_131 = tpu.vector_load %arg8[%swap3A_130] {strides = array<i32>} : memref<32xi32, #tpu.memory_space<vmem>>, vector<16xi32>,
    %swap3A_132 = vector.shape_cast %swap3A_131 : vector<16xi32> to vector<16xi32>
    %swap3A_133 = vector.shape_cast %add3A_129 : vector<16xi32> to vector<16xi32>
    tpu.vector_store %arg8[%swap3A_130], %swap3A_133 {strides = array<i32>} : memref<32xi32, #tpu.memory_space<vmem>>, vector<16xi32>,
    %get3A_134 = arith.constant 16 : index
    %get3A_135 = tpu.vector_load %arg8[%get3A_134] {strides = array<i32>} : memref<32xi32, #tpu.memory_space<vmem>>, vector<16xi32>,
    %get3A_136 = vector.shape_cast %get3A_135 : vector<16xi32> to vector<16xi32>
    %add3A_137 = vector.broadcast %mul3A_72 : i32 to vector<16xi32>
    %add3A_138 = arith.addi %get3A_136, %add3A_137 : vector<16xi32>
    %swap3A_139 = arith.constant 16 : index
    %swap3A_140 = tpu.vector_load %arg8[%swap3A_139] {strides = array<i32>} : memref<32xi32, #tpu.memory_space<vmem>>, vector<16xi32>,
    %swap3A_141 = vector.shape_cast %swap3A_140 : vector<16xi32> to vector<16xi32>
    %swap3A_142 = vector.shape_cast %add3A_138 : vector<16xi32> to vector<16xi32>
    tpu.vector_store %arg8[%swap3A_139], %swap3A_142 {strides = array<i32>} : memref<32xi32, #tpu.memory_space<vmem>>, vector<16xi32>,
    %dma_start3A_143 = arith.constant 0 : i32
    %dma_start3A_144 = arith.constant 0 : i32
    %dma_start3A_145 = tpu.memref_slice %arg3[%dma_start3A_143, %dma_start3A_144] : memref<8192x768xf32, #tpu.memory_space<hbm>> -> memref<8192x768xf32, #tpu.memory_space<hbm>>
    tpu.enqueue_indirect_dma source(%dma_start3A_145 : memref<8192x768xf32, #tpu.memory_space<hbm>>) target(%arg9 : memref<32x768xf32, #tpu.memory_space<vmem>>) offsets(%arg8 : memref<32xi32, #tpu.memory_space<vmem>>) semaphore(%arg10 : memref<!tpu.dma_semaphore, #tpu.memory_space<semaphore_mem>>)
    %dma_wait3A_146 = arith.constant 0 : i32
    %dma_wait3A_147 = arith.constant 0 : i32
    %dma_wait3A_148 = tpu.memref_slice %arg3[%dma_wait3A_146, %dma_wait3A_147] : memref<8192x768xf32, #tpu.memory_space<hbm>> -> memref<8192x768xf32, #tpu.memory_space<hbm>>
    tpu.wait_indirect_dma semaphore(%arg10 : memref<!tpu.dma_semaphore, #tpu.memory_space<semaphore_mem>>) src(%dma_wait3A_148 : memref<8192x768xf32, #tpu.memory_space<hbm>>) dst(%arg9 : memref<32x768xf32, #tpu.memory_space<vmem>>)
    %mul3A_149 = arith.constant 3 : i32
    %mul3A_150 = arith.muli %select_n3A, %mul3A_149 : i32
    %add3A_151 = arith.constant 2 : i32
    %add3A_152 = arith.addi %mul3A_150, %add3A_151 : i32
    %mul3A_153 = arith.constant 256 : i32
    %mul3A_154 = arith.muli %add3A_152, %mul3A_153 : i32
    %mul3A_155 = arith.constant 32 : i32
    %mul3A_156 = arith.muli %select_n3A_30, %mul3A_155 : i32
    %add3A_157 = arith.addi %mul3A_154, %mul3A_156 : i32
    "tpu.region"() ({
      %run_scoped3A_158 = tpu.sem_alloc : memref<!tpu.dma_semaphore, #tpu.memory_space<semaphore_mem>>
      %dma_start3A_159 = arith.constant 0 : i32
      %dma_start3A_160 = tpu.memref_slice %arg5[%add3A_157, %dma_start3A_159] : memref<3072x768xf32, #tpu.memory_space<hbm>> -> memref<32x768xf32, #tpu.memory_space<hbm>>
      %dma_start3A_161 = arith.constant 0 : i32
      %dma_start3A_162 = tpu.memref_slice %arg5[%add3A_157, %dma_start3A_161] : memref<3072x768xf32, #tpu.memory_space<hbm>> -> memref<32x768xf32, #tpu.memory_space<hbm>>
      tpu.enqueue_dma source(%arg9 : memref<32x768xf32, #tpu.memory_space<vmem>>) target(%dma_start3A_162 : memref<32x768xf32, #tpu.memory_space<hbm>>) target_semaphore(%run_scoped3A_158 : memref<!tpu.dma_semaphore, #tpu.memory_space<semaphore_mem>>)
      %dma_wait3A_163 = arith.constant 0 : i32
      %dma_wait3A_164 = tpu.memref_slice %arg5[%add3A_157, %dma_wait3A_163] : memref<3072x768xf32, #tpu.memory_space<hbm>> -> memref<32x768xf32, #tpu.memory_space<hbm>>
      %dma_wait3A_165 = arith.constant 0 : i32
      %dma_wait3A_166 = tpu.memref_slice %arg5[%add3A_157, %dma_wait3A_165] : memref<3072x768xf32, #tpu.memory_space<hbm>> -> memref<32x768xf32, #tpu.memory_space<hbm>>
      tpu.wait_dma2 semaphore(%run_scoped3A_158 : memref<!tpu.dma_semaphore, #tpu.memory_space<semaphore_mem>>) src(%arg9 : memref<32x768xf32, #tpu.memory_space<vmem>>) dst(%dma_wait3A_166 : memref<32x768xf32, #tpu.memory_space<hbm>>)
      tpu.yield
    }) : () -> ()
    return
  }
}

module attributes {stable_mosaic.version = 14 : i64} {
  func.func @_tcb_body(%arg0: i32, %arg1: memref<1x3x256x768xf32, #tpu.memory_space<vmem>>, %arg2: memref<1x1x256xi32, #tpu.memory_space<vmem>>, %arg3: memref<1x1x256xi32, #tpu.memory_space<vmem>>, %arg4: memref<1x1x2048xi32, #tpu.memory_space<vmem>>, %arg5: memref<3x1536xf32, #tpu.memory_space<vmem>>, %arg6: memref<8x128xf32, #tpu.memory_space<vmem>>, %arg7: memref<1x1x768xf32, #tpu.memory_space<vmem>>, %arg8: memref<1x3x2048xf32, #tpu.memory_space<vmem>>, %arg9: memref<1x3x2048xf32, #tpu.memory_space<vmem>>, %arg10: memref<1x1x2048xi32, #tpu.memory_space<vmem>>, %arg11: memref<1x1xf32, #tpu.memory_space<vmem>>) attributes {dimension_semantics = [#tpu.dimension_semantics<arbitrary>], iteration_bounds = array<i64: 4>, scalar_prefetch = 0 : i64, scratch_operands = 0 : i64, tpu.core_type = #tpu.core_type<tc>, window_params = [{transform_indices = @transform_0, window_bounds = array<i64: 1, 3, 256, 768>}, {transform_indices = @transform_1, window_bounds = array<i64: 1, 1, 256>}, {transform_indices = @transform_2, window_bounds = array<i64: 1, 1, 256>}, {transform_indices = @transform_3, window_bounds = array<i64: 1, 1, 2048>}, {pipeline_mode = #tpu.pipeline_mode<synchronous>, transform_indices = @transform_4, window_bounds = array<i64: 3, 1536>}, {pipeline_mode = #tpu.pipeline_mode<synchronous>, transform_indices = @transform_5, window_bounds = array<i64: 8, 128>}, {transform_indices = @transform_6, window_bounds = array<i64: 1, 1, 768>}, {transform_indices = @transform_7, window_bounds = array<i64: 1, 3, 2048>}, {transform_indices = @transform_8, window_bounds = array<i64: 1, 3, 2048>}, {transform_indices = @transform_9, window_bounds = array<i64: 1, 1, 2048>}, {pipeline_mode = #tpu.pipeline_mode<synchronous>, transform_indices = @transform_10, window_bounds = array<i64: 1, 1>}]} {
    %get3A = arith.constant 0 : index
    %get3A_0 = arith.constant 0 : index
    %get3A_1 = arith.constant 0 : index
    %get3A_2 = arith.constant 0 : index
    %get3A_3 = vector.load %arg1[%get3A, %get3A_0, %get3A_1, %get3A_2] : memref<1x3x256x768xf32, #tpu.memory_space<vmem>>, vector<1x1x256x768xf32>
    %get3A_4 = vector.shape_cast %get3A_3 : vector<1x1x256x768xf32> to vector<256x768xf32>
    %get3A_5 = arith.constant 0 : index
    %get3A_6 = arith.constant 1 : index
    %get3A_7 = arith.constant 0 : index
    %get3A_8 = arith.constant 0 : index
    %get3A_9 = vector.load %arg1[%get3A_5, %get3A_6, %get3A_7, %get3A_8] : memref<1x3x256x768xf32, #tpu.memory_space<vmem>>, vector<1x1x256x768xf32>
    %get3A_10 = vector.shape_cast %get3A_9 : vector<1x1x256x768xf32> to vector<256x768xf32>
    %get3A_11 = arith.constant 0 : index
    %get3A_12 = arith.constant 1 : index
    %get3A_13 = arith.constant 0 : index
    %get3A_14 = arith.constant 0 : index
    %get3A_15 = vector.load %arg1[%get3A_11, %get3A_12, %get3A_13, %get3A_14] : memref<1x3x256x768xf32, #tpu.memory_space<vmem>>, vector<1x1x256x768xf32>
    %get3A_16 = vector.shape_cast %get3A_15 : vector<1x1x256x768xf32> to vector<256x768xf32>
    %get3A_17 = arith.constant 0 : index
    %get3A_18 = arith.constant 2 : index
    %get3A_19 = arith.constant 0 : index
    %get3A_20 = arith.constant 0 : index
    %get3A_21 = vector.load %arg1[%get3A_17, %get3A_18, %get3A_19, %get3A_20] : memref<1x3x256x768xf32, #tpu.memory_space<vmem>>, vector<1x1x256x768xf32>
    %get3A_22 = vector.shape_cast %get3A_21 : vector<1x1x256x768xf32> to vector<256x768xf32>
    %get3A_23 = arith.constant 0 : index
    %get3A_24 = arith.constant 0 : index
    %get3A_25 = arith.constant 0 : index
    %get3A_26 = vector.load %arg2[%get3A_23, %get3A_24, %get3A_25] : memref<1x1x256xi32, #tpu.memory_space<vmem>>, vector<1x1x256xi32>
    %get3A_27 = vector.shape_cast %get3A_26 : vector<1x1x256xi32> to vector<1x256xi32>
    %get3A_28 = arith.constant 0 : index
    %get3A_29 = arith.constant 0 : index
    %get3A_30 = arith.constant 0 : index
    %get3A_31 = vector.load %arg3[%get3A_28, %get3A_29, %get3A_30] : memref<1x1x256xi32, #tpu.memory_space<vmem>>, vector<1x1x256xi32>
    %get3A_32 = vector.shape_cast %get3A_31 : vector<1x1x256xi32> to vector<1x256xi32>
    %get3A_33 = arith.constant 0 : index
    %get3A_34 = arith.constant 1 : index
    %get3A_35 = vector.load %arg6[%get3A_33, %get3A_34] : memref<8x128xf32, #tpu.memory_space<vmem>>, vector<3x1xf32>
    %get3A_36 = arith.constant 0 : index
    %get3A_37 = arith.constant 0 : index
    %get3A_38 = arith.constant 0 : index
    %get3A_39 = vector.load %arg7[%get3A_36, %get3A_37, %get3A_38] : memref<1x1x768xf32, #tpu.memory_space<vmem>>, vector<1x1x768xf32>
    %get3A_40 = vector.shape_cast %get3A_39 : vector<1x1x768xf32> to vector<1x768xf32>
    %iota3A = tpu.iota {dimensions = array<i32: 1>} : vector<256x256xi32>
    %iota3A_41 = tpu.iota {dimensions = array<i32: 0>} : vector<256x256xi32>
    %lt3A = arith.cmpi slt, %iota3A, %iota3A_41 : vector<256x256xi32>
    %get3A_42 = arith.constant 0 : index
    %get3A_43 = arith.constant 0 : index
    %get3A_44 = vector.load %arg5[%get3A_42, %get3A_43] : memref<3x1536xf32, #tpu.memory_space<vmem>>, vector<3x768xf32>
    %get3A_45 = arith.constant 0 : index
    %get3A_46 = arith.constant 768 : index
    %get3A_47 = vector.load %arg5[%get3A_45, %get3A_46] : memref<3x1536xf32, #tpu.memory_space<vmem>>, vector<3x768xf32>
    %reshape3A = vector.shape_cast %get3A_27 : vector<1x256xi32> to vector<256x1xi32>
    %reshape3A_48 = vector.shape_cast %get3A_32 : vector<1x256xi32> to vector<256x1xi32>
    %dot_general3A = arith.constant dense<0.000000e+00> : vector<256x256xf32>
    %dot_general3A_49 = tpu.matmul %get3A_10, %get3A_4, %dot_general3A {dimension_numbers = #tpu.dot_dimension_numbers<[1], [1], [0], [0], [0, 0, 1, 0], [], []>, transpose_lhs_hint = false} : vector<256x768xf32>, vector<256x768xf32>, vector<256x256xf32> -> vector<256x256xf32>
    %mul3A = arith.constant 0.00999999977 : f32
    %mul3A_50 = vector.broadcast %mul3A : f32 to vector<256x256xf32>
    %mul3A_51 = arith.mulf %dot_general3A_49, %mul3A_50 : vector<256x256xf32>
    %ne3A = vector.broadcast %reshape3A_48 : vector<256x1xi32> to vector<256x256xi32>
    %ne3A_52 = vector.broadcast %get3A_27 : vector<1x256xi32> to vector<256x256xi32>
    %ne3A_53 = arith.cmpi ne, %ne3A, %ne3A_52 : vector<256x256xi32>
    %convert_element_type3A = arith.extui %ne3A_53 : vector<256x256xi1> to vector<256x256xi32>
    %convert_element_type3A_54 = arith.sitofp %convert_element_type3A : vector<256x256xi32> to vector<256x256xf32>
    %mul3A_55 = arith.mulf %mul3A_51, %convert_element_type3A_54 : vector<256x256xf32>
    %eq3A = vector.broadcast %reshape3A_48 : vector<256x1xi32> to vector<256x256xi32>
    %eq3A_56 = vector.broadcast %get3A_32 : vector<1x256xi32> to vector<256x256xi32>
    %eq3A_57 = arith.cmpi eq, %eq3A, %eq3A_56 : vector<256x256xi32>
    %and3A = arith.andi %eq3A_57, %lt3A : vector<256x256xi1>
    %reduce_or3A = arith.constant 1.000000e+00 : f32
    %reduce_or3A_58 = arith.constant 0.000000e+00 : f32
    %reduce_or3A_59 = vector.broadcast %reduce_or3A : f32 to vector<256x256xf32>
    %reduce_or3A_60 = vector.broadcast %reduce_or3A_58 : f32 to vector<256x256xf32>
    %reduce_or3A_61 = arith.select %and3A, %reduce_or3A_59, %reduce_or3A_60 : vector<256x256xi1>, vector<256x256xf32>
    %reduce_or3A_62 = arith.constant dense<0xFF800000> : vector<256xf32>
    %reduce_or3A_63 = vector.multi_reduction <maximumf>, %reduce_or3A_61, %reduce_or3A_62 [1] : vector<256x256xf32> to vector<256xf32>
    %reduce_or3A_64 = arith.constant 0.000000e+00 : f32
    %reduce_or3A_65 = vector.broadcast %reduce_or3A_64 : f32 to vector<256xf32>
    %reduce_or3A_66 = arith.cmpf ogt, %reduce_or3A_63, %reduce_or3A_65 : vector<256xf32>
    %broadcast_in_dim3A = vector.shape_cast %reduce_or3A_66 : vector<256xi1> to vector<256x1xi1>
    %jit3A = arith.constant 0.000000e+00 : f32
    %jit3A_67 = arith.constant 1.000000e+00 : f32
    %broadcast_in_dim3A_68 = vector.broadcast %jit3A : f32 to vector<256x1xf32>
    %broadcast_in_dim3A_69 = vector.broadcast %jit3A_67 : f32 to vector<256x1xf32>
    %select_n3A = arith.select %broadcast_in_dim3A, %broadcast_in_dim3A_68, %broadcast_in_dim3A_69 : vector<256x1xi1>, vector<256x1xf32>
    %mul3A_70 = vector.broadcast %select_n3A : vector<256x1xf32> to vector<256x256xf32>
    %mul3A_71 = arith.mulf %mul3A_55, %mul3A_70 : vector<256x256xf32>
    %reduce_sum3A = arith.constant dense<0.000000e+00> : vector<256xf32>
    %reduce_sum3A_72 = vector.multi_reduction <add>, %mul3A_71, %reduce_sum3A [0] : vector<256x256xf32> to vector<256xf32>
    %broadcast_in_dim3A_73 = vector.shape_cast %reduce_sum3A_72 : vector<256xf32> to vector<1x256xf32>
    %sub3A = vector.broadcast %broadcast_in_dim3A_73 : vector<1x256xf32> to vector<256x256xf32>
    %sub3A_74 = arith.subf %mul3A_55, %sub3A : vector<256x256xf32>
    %exp3A = math.exp %sub3A_74 : vector<256x256xf32>
    %mul3A_75 = arith.mulf %exp3A, %convert_element_type3A_54 : vector<256x256xf32>
    %reduce_max3A = arith.constant dense<0xFF800000> : vector<256xf32>
    %reduce_max3A_76 = vector.multi_reduction <maximumf>, %mul3A_75, %reduce_max3A [0] : vector<256x256xf32> to vector<256xf32>
    %broadcast_in_dim3A_77 = vector.shape_cast %reduce_max3A_76 : vector<256xf32> to vector<1x256xf32>
    %gt3A = arith.constant 0.000000e+00 : f32
    %gt3A_78 = vector.broadcast %gt3A : f32 to vector<1x256xf32>
    %gt3A_79 = arith.cmpf ogt, %broadcast_in_dim3A_77, %gt3A_78 : vector<1x256xf32>
    %eq3A_80 = vector.broadcast %broadcast_in_dim3A_77 : vector<1x256xf32> to vector<256x256xf32>
    %eq3A_81 = arith.cmpf oeq, %mul3A_75, %eq3A_80 : vector<256x256xf32>
    %gt3A_82 = arith.constant 0.000000e+00 : f32
    %gt3A_83 = vector.broadcast %gt3A_82 : f32 to vector<256x256xf32>
    %gt3A_84 = arith.cmpf ogt, %convert_element_type3A_54, %gt3A_83 : vector<256x256xf32>
    %and3A_85 = arith.andi %eq3A_81, %gt3A_84 : vector<256x256xi1>
    %and3A_86 = vector.broadcast %gt3A_79 : vector<1x256xi1> to vector<256x256xi1>
    %and3A_87 = arith.andi %and3A_85, %and3A_86 : vector<256x256xi1>
    %broadcast_in_dim3A_88 = vector.shape_cast %reshape3A_48 : vector<256x1xi32> to vector<256x1xi32>
    %broadcast_in_dim3A_89 = vector.broadcast %broadcast_in_dim3A_88 : vector<256x1xi32> to vector<256x256xi32>
    %jit3A_90 = arith.constant 1073741824 : i32
    %broadcast_in_dim3A_91 = vector.broadcast %jit3A_90 : i32 to vector<256x256xi32>
    %select_n3A_92 = arith.select %and3A_87, %broadcast_in_dim3A_89, %broadcast_in_dim3A_91 : vector<256x256xi1>, vector<256x256xi32>
    %reduce_min3A = arith.constant dense<2147483647> : vector<256xi32>
    %reduce_min3A_93 = vector.multi_reduction <minsi>, %select_n3A_92, %reduce_min3A [0] : vector<256x256xi32> to vector<256xi32>
    %broadcast_in_dim3A_94 = vector.shape_cast %reduce_min3A_93 : vector<256xi32> to vector<1x256xi32>
    %eq3A_95 = vector.broadcast %broadcast_in_dim3A_94 : vector<1x256xi32> to vector<256x256xi32>
    %eq3A_96 = arith.cmpi eq, %broadcast_in_dim3A_89, %eq3A_95 : vector<256x256xi32>
    %and3A_97 = arith.andi %and3A_87, %eq3A_96 : vector<256x256xi1>
    %convert_element_type3A_98 = arith.extui %and3A_97 : vector<256x256xi1> to vector<256x256xi32>
    %convert_element_type3A_99 = arith.sitofp %convert_element_type3A_98 : vector<256x256xi32> to vector<256x256xf32>
    %reduce_sum3A_100 = arith.constant dense<0.000000e+00> : vector<256xf32>
    %reduce_sum3A_101 = vector.multi_reduction <add>, %convert_element_type3A_99, %reduce_sum3A_100 [0] : vector<256x256xf32> to vector<256xf32>
    %broadcast_in_dim3A_102 = vector.shape_cast %reduce_sum3A_101 : vector<256xf32> to vector<1x256xf32>
    %dot_general3A_103 = arith.constant dense<0.000000e+00> : vector<3x256xf32>
    %dot_general3A_104 = tpu.matmul %get3A_47, %get3A_16, %dot_general3A_103 {dimension_numbers = #tpu.dot_dimension_numbers<[1], [1], [0], [0], [0, 0, 1, 0], [], []>, transpose_lhs_hint = false} : vector<3x768xf32>, vector<256x768xf32>, vector<3x256xf32> -> vector<3x256xf32>
    %dot_general3A_105 = arith.constant dense<0.000000e+00> : vector<3x256xf32>
    %dot_general3A_106 = tpu.matmul %dot_general3A_104, %convert_element_type3A_99, %dot_general3A_105 {dimension_numbers = #tpu.dot_dimension_numbers<[1], [0], [0], [1], [0, 0, 1, 1], [], []>, precision = #tpu.contract_precision<fp32>, transpose_lhs_hint = false} : vector<3x256xf32>, vector<256x256xf32>, vector<3x256xf32> -> vector<3x256xf32>
    %max3A = arith.constant 1.000000e+00 : f32
    %max3A_107 = vector.broadcast %max3A : f32 to vector<1x256xf32>
    %max3A_108 = arith.maximumf %broadcast_in_dim3A_102, %max3A_107 : vector<1x256xf32>
    %div3A = vector.broadcast %max3A_108 : vector<1x256xf32> to vector<3x256xf32>
    %div3A_109 = arith.divf %dot_general3A_106, %div3A : vector<3x256xf32>
    %dot_general3A_110 = arith.constant dense<0.000000e+00> : vector<3x1xf32>
    %dot_general3A_111 = tpu.matmul %get3A_47, %get3A_40, %dot_general3A_110 {dimension_numbers = #tpu.dot_dimension_numbers<[1], [1], [0], [0], [0, 0, 1, 0], [], []>, transpose_lhs_hint = false} : vector<3x768xf32>, vector<1x768xf32>, vector<3x1xf32> -> vector<3x1xf32>
    %broadcast_in_dim3A_112 = vector.shape_cast %dot_general3A_111 : vector<3x1xf32> to vector<3x1xf32>
    %broadcast_in_dim3A_113 = vector.broadcast %broadcast_in_dim3A_112 : vector<3x1xf32> to vector<3x256xf32>
    %broadcast_in_dim3A_114 = vector.shape_cast %gt3A_79 : vector<1x256xi1> to vector<1x256xi1>
    %broadcast_in_dim3A_115 = vector.broadcast %broadcast_in_dim3A_114 : vector<1x256xi1> to vector<3x256xi1>
    %select_n3A_116 = arith.select %broadcast_in_dim3A_115, %div3A_109, %broadcast_in_dim3A_113 : vector<3x256xi1>, vector<3x256xf32>
    %dot_general3A_117 = arith.constant dense<0.000000e+00> : vector<3x256xf32>
    %dot_general3A_118 = tpu.matmul %get3A_44, %get3A_22, %dot_general3A_117 {dimension_numbers = #tpu.dot_dimension_numbers<[1], [1], [0], [0], [0, 0, 1, 0], [], []>, transpose_lhs_hint = false} : vector<3x768xf32>, vector<256x768xf32>, vector<3x256xf32> -> vector<3x256xf32>
    %add3A = arith.addf %dot_general3A_118, %select_n3A_116 : vector<3x256xf32>
    %add3A_119 = vector.broadcast %get3A_35 : vector<3x1xf32> to vector<3x256xf32>
    %add3A_120 = arith.addf %add3A, %add3A_119 : vector<3x256xf32>
    %eq3A_121 = vector.broadcast %reshape3A : vector<256x1xi32> to vector<256x256xi32>
    %eq3A_122 = vector.broadcast %get3A_27 : vector<1x256xi32> to vector<256x256xi32>
    %eq3A_123 = arith.cmpi eq, %eq3A_121, %eq3A_122 : vector<256x256xi32>
    %and3A_124 = arith.andi %eq3A_123, %lt3A : vector<256x256xi1>
    %reduce_or3A_125 = arith.constant 1.000000e+00 : f32
    %reduce_or3A_126 = arith.constant 0.000000e+00 : f32
    %reduce_or3A_127 = vector.broadcast %reduce_or3A_125 : f32 to vector<256x256xf32>
    %reduce_or3A_128 = vector.broadcast %reduce_or3A_126 : f32 to vector<256x256xf32>
    %reduce_or3A_129 = arith.select %and3A_124, %reduce_or3A_127, %reduce_or3A_128 : vector<256x256xi1>, vector<256x256xf32>
    %reduce_or3A_130 = arith.constant dense<0xFF800000> : vector<256xf32>
    %reduce_or3A_131 = vector.multi_reduction <maximumf>, %reduce_or3A_129, %reduce_or3A_130 [1] : vector<256x256xf32> to vector<256xf32>
    %reduce_or3A_132 = arith.constant 0.000000e+00 : f32
    %reduce_or3A_133 = vector.broadcast %reduce_or3A_132 : f32 to vector<256xf32>
    %reduce_or3A_134 = arith.cmpf ogt, %reduce_or3A_131, %reduce_or3A_133 : vector<256xf32>
    %broadcast_in_dim3A_135 = vector.shape_cast %reduce_or3A_134 : vector<256xi1> to vector<256x1xi1>
    %jit3A_136 = arith.constant 0.000000e+00 : f32
    %jit3A_137 = arith.constant 1.000000e+00 : f32
    %broadcast_in_dim3A_138 = vector.broadcast %jit3A_136 : f32 to vector<256x1xf32>
    %broadcast_in_dim3A_139 = vector.broadcast %jit3A_137 : f32 to vector<256x1xf32>
    %select_n3A_140 = arith.select %broadcast_in_dim3A_135, %broadcast_in_dim3A_138, %broadcast_in_dim3A_139 : vector<256x1xi1>, vector<256x1xf32>
    %iota3A_141 = tpu.iota {dimensions = array<i32: 1>} : vector<256x2048xi32>
    %eq3A_142 = vector.broadcast %reshape3A : vector<256x1xi32> to vector<256x2048xi32>
    %eq3A_143 = arith.cmpi eq, %eq3A_142, %iota3A_141 : vector<256x2048xi32>
    %convert_element_type3A_144 = arith.extui %eq3A_143 : vector<256x2048xi1> to vector<256x2048xi32>
    %convert_element_type3A_145 = arith.sitofp %convert_element_type3A_144 : vector<256x2048xi32> to vector<256x2048xf32>
    %mul3A_146 = vector.broadcast %select_n3A_140 : vector<256x1xf32> to vector<256x2048xf32>
    %mul3A_147 = arith.mulf %convert_element_type3A_145, %mul3A_146 : vector<256x2048xf32>
    %dot_general3A_148 = arith.constant dense<0.000000e+00> : vector<3x2048xf32>
    %dot_general3A_149 = tpu.matmul %add3A_120, %mul3A_147, %dot_general3A_148 {dimension_numbers = #tpu.dot_dimension_numbers<[1], [0], [0], [1], [0, 0, 1, 1], [], []>, precision = #tpu.contract_precision<fp32>, transpose_lhs_hint = false} : vector<3x256xf32>, vector<256x2048xf32>, vector<3x2048xf32> -> vector<3x2048xf32>
    %get3A_150 = arith.constant 0 : index
    %get3A_151 = arith.constant 0 : index
    %get3A_152 = arith.constant 0 : index
    %get3A_153 = vector.load %arg8[%get3A_150, %get3A_151, %get3A_152] : memref<1x3x2048xf32, #tpu.memory_space<vmem>>, vector<1x3x2048xf32>
    %get3A_154 = vector.shape_cast %get3A_153 : vector<1x3x2048xf32> to vector<3x2048xf32>
    %add3A_155 = arith.addf %get3A_154, %dot_general3A_149 : vector<3x2048xf32>
    %mul3A_156 = arith.constant 5.000000e-01 : f32
    %mul3A_157 = vector.broadcast %mul3A_156 : f32 to vector<3x2048xf32>
    %mul3A_158 = arith.mulf %mul3A_157, %add3A_155 : vector<3x2048xf32>
    %abs3A = math.absf %mul3A_158 : vector<3x2048xf32>
    %reduce_sum3A_159 = arith.constant dense<0.000000e+00> : vector<2048xf32>
    %reduce_sum3A_160 = vector.multi_reduction <add>, %abs3A, %reduce_sum3A_159 [0] : vector<3x2048xf32> to vector<2048xf32>
    %broadcast_in_dim3A_161 = vector.shape_cast %reduce_sum3A_160 : vector<2048xf32> to vector<1x2048xf32>
    %gt3A_162 = arith.constant 0.000000e+00 : f32
    %gt3A_163 = vector.broadcast %gt3A_162 : f32 to vector<1x2048xf32>
    %gt3A_164 = arith.cmpf ogt, %broadcast_in_dim3A_161, %gt3A_163 : vector<1x2048xf32>
    %reduce_max3A_165 = arith.constant dense<0xFF800000> : vector<2048xf32>
    %reduce_max3A_166 = vector.multi_reduction <maximumf>, %mul3A_158, %reduce_max3A_165 [0] : vector<3x2048xf32> to vector<2048xf32>
    %broadcast_in_dim3A_167 = vector.shape_cast %reduce_max3A_166 : vector<2048xf32> to vector<1x2048xf32>
    %sub3A_168 = vector.broadcast %broadcast_in_dim3A_167 : vector<1x2048xf32> to vector<3x2048xf32>
    %sub3A_169 = arith.subf %mul3A_158, %sub3A_168 : vector<3x2048xf32>
    %exp3A_170 = math.exp %sub3A_169 : vector<3x2048xf32>
    %sub3A_171 = vector.broadcast %broadcast_in_dim3A_167 : vector<1x2048xf32> to vector<3x2048xf32>
    %sub3A_172 = arith.subf %mul3A_158, %sub3A_171 : vector<3x2048xf32>
    %reduce_sum3A_173 = arith.constant dense<0.000000e+00> : vector<2048xf32>
    %reduce_sum3A_174 = vector.multi_reduction <add>, %exp3A_170, %reduce_sum3A_173 [0] : vector<3x2048xf32> to vector<2048xf32>
    %broadcast_in_dim3A_175 = vector.shape_cast %reduce_sum3A_174 : vector<2048xf32> to vector<1x2048xf32>
    %log3A = math.log %broadcast_in_dim3A_175 : vector<1x2048xf32>
    %sub3A_176 = vector.broadcast %log3A : vector<1x2048xf32> to vector<3x2048xf32>
    %sub3A_177 = arith.subf %sub3A_172, %sub3A_176 : vector<3x2048xf32>
    %get3A_178 = arith.constant 0 : index
    %get3A_179 = arith.constant 0 : index
    %get3A_180 = arith.constant 0 : index
    %get3A_181 = vector.load %arg4[%get3A_178, %get3A_179, %get3A_180] : memref<1x1x2048xi32, #tpu.memory_space<vmem>>, vector<1x1x2048xi32>
    %get3A_182 = vector.shape_cast %get3A_181 : vector<1x1x2048xi32> to vector<1x2048xi32>
    %eq3A_183 = arith.constant 0 : i32
    %eq3A_184 = vector.broadcast %eq3A_183 : i32 to vector<1x2048xi32>
    %eq3A_185 = arith.cmpi eq, %get3A_182, %eq3A_184 : vector<1x2048xi32>
    %slice3A = vector.extract_strided_slice %sub3A_177 {offsets = [0, 0], sizes = [1, 2048], strides = [1, 1]} : vector<3x2048xf32> to vector<1x2048xf32>
    %eq3A_186 = arith.constant 1 : i32
    %eq3A_187 = vector.broadcast %eq3A_186 : i32 to vector<1x2048xi32>
    %eq3A_188 = arith.cmpi eq, %get3A_182, %eq3A_187 : vector<1x2048xi32>
    %slice3A_189 = vector.extract_strided_slice %sub3A_177 {offsets = [1, 0], sizes = [1, 2048], strides = [1, 1]} : vector<3x2048xf32> to vector<1x2048xf32>
    %slice3A_190 = vector.extract_strided_slice %sub3A_177 {offsets = [2, 0], sizes = [1, 2048], strides = [1, 1]} : vector<3x2048xf32> to vector<1x2048xf32>
    %select_n3A_191 = arith.select %eq3A_188, %slice3A_189, %slice3A_190 : vector<1x2048xi1>, vector<1x2048xf32>
    %select_n3A_192 = arith.select %eq3A_185, %slice3A, %select_n3A_191 : vector<1x2048xi1>, vector<1x2048xf32>
    %neg3A = arith.constant 0.000000e+00 : f32
    %neg3A_193 = vector.broadcast %neg3A : f32 to vector<1x2048xf32>
    %neg3A_194 = arith.subf %neg3A_193, %select_n3A_192 : vector<1x2048xf32>
    %eq3A_195 = arith.constant 0 : i32
    %eq3A_196 = vector.broadcast %eq3A_195 : i32 to vector<1x2048xi32>
    %eq3A_197 = arith.cmpi eq, %get3A_182, %eq3A_196 : vector<1x2048xi32>
    %eq3A_198 = arith.constant 1 : i32
    %eq3A_199 = vector.broadcast %eq3A_198 : i32 to vector<1x2048xi32>
    %eq3A_200 = arith.cmpi eq, %get3A_182, %eq3A_199 : vector<1x2048xi32>
    %jit3A_201 = arith.constant 2.000000e+00 : f32
    %jit3A_202 = arith.constant 4.000000e+00 : f32
    %broadcast_in_dim3A_203 = vector.broadcast %jit3A_201 : f32 to vector<1x2048xf32>
    %broadcast_in_dim3A_204 = vector.broadcast %jit3A_202 : f32 to vector<1x2048xf32>
    %select_n3A_205 = arith.select %eq3A_200, %broadcast_in_dim3A_203, %broadcast_in_dim3A_204 : vector<1x2048xi1>, vector<1x2048xf32>
    %jit3A_206 = arith.constant 1.000000e+00 : f32
    %broadcast_in_dim3A_207 = vector.broadcast %jit3A_206 : f32 to vector<1x2048xf32>
    %select_n3A_208 = arith.select %eq3A_197, %broadcast_in_dim3A_207, %select_n3A_205 : vector<1x2048xi1>, vector<1x2048xf32>
    %convert_element_type3A_209 = arith.extui %gt3A_164 : vector<1x2048xi1> to vector<1x2048xi32>
    %convert_element_type3A_210 = arith.sitofp %convert_element_type3A_209 : vector<1x2048xi32> to vector<1x2048xf32>
    %mul3A_211 = arith.mulf %select_n3A_208, %convert_element_type3A_210 : vector<1x2048xf32>
    %mul3A_212 = arith.mulf %neg3A_194, %mul3A_211 : vector<1x2048xf32>
    %reduce_sum3A_213 = vector.shape_cast %mul3A_212 : vector<1x2048xf32> to vector<1x1x2048xf32>
    %reduce_sum3A_214 = arith.constant dense<0.000000e+00> : vector<1xf32>
    %reduce_sum3A_215 = vector.multi_reduction <add>, %reduce_sum3A_213, %reduce_sum3A_214 [1, 2] : vector<1x1x2048xf32> to vector<1xf32>
    %reduce_sum3A_216 = vector.shape_cast %reduce_sum3A_215 : vector<1xf32> to vector<1x1x1xf32>
    %reduce_sum3A_217 = vector.extract %reduce_sum3A_216[0, 0, 0] : f32 from vector<1x1x1xf32>
    %reduce_sum3A_218 = vector.shape_cast %mul3A_211 : vector<1x2048xf32> to vector<1x1x2048xf32>
    %reduce_sum3A_219 = arith.constant dense<0.000000e+00> : vector<1xf32>
    %reduce_sum3A_220 = vector.multi_reduction <add>, %reduce_sum3A_218, %reduce_sum3A_219 [1, 2] : vector<1x1x2048xf32> to vector<1xf32>
    %reduce_sum3A_221 = vector.shape_cast %reduce_sum3A_220 : vector<1xf32> to vector<1x1x1xf32>
    %reduce_sum3A_222 = vector.extract %reduce_sum3A_221[0, 0, 0] : f32 from vector<1x1x1xf32>
    %max3A_223 = arith.constant 9.99999997E-7 : f32
    %max3A_224 = arith.maximumf %reduce_sum3A_222, %max3A_223 : f32
    %div3A_225 = arith.divf %reduce_sum3A_217, %max3A_224 : f32
    %reshape3A_226 = vector.broadcast %div3A_225 : f32 to vector<1x1xf32>
    %slice3A_227 = vector.extract_strided_slice %mul3A_158 {offsets = [0, 0], sizes = [1, 2048], strides = [1, 1]} : vector<3x2048xf32> to vector<1x2048xf32>
    %slice3A_228 = vector.extract_strided_slice %mul3A_158 {offsets = [1, 0], sizes = [1, 2048], strides = [1, 1]} : vector<3x2048xf32> to vector<1x2048xf32>
    %slice3A_229 = vector.extract_strided_slice %mul3A_158 {offsets = [2, 0], sizes = [1, 2048], strides = [1, 1]} : vector<3x2048xf32> to vector<1x2048xf32>
    %gt3A_230 = arith.cmpf ogt, %slice3A_228, %slice3A_227 : vector<1x2048xf32>
    %jit3A_231 = arith.constant 1 : i32
    %jit3A_232 = arith.constant 0 : i32
    %broadcast_in_dim3A_233 = vector.broadcast %jit3A_231 : i32 to vector<1x2048xi32>
    %broadcast_in_dim3A_234 = vector.broadcast %jit3A_232 : i32 to vector<1x2048xi32>
    %select_n3A_235 = arith.select %gt3A_230, %broadcast_in_dim3A_233, %broadcast_in_dim3A_234 : vector<1x2048xi1>, vector<1x2048xi32>
    %max3A_236 = arith.maximumf %slice3A_227, %slice3A_228 : vector<1x2048xf32>
    %gt3A_237 = arith.cmpf ogt, %slice3A_229, %max3A_236 : vector<1x2048xf32>
    %jit3A_238 = arith.constant 2 : i32
    %broadcast_in_dim3A_239 = vector.broadcast %jit3A_238 : i32 to vector<1x2048xi32>
    %select_n3A_240 = arith.select %gt3A_237, %broadcast_in_dim3A_239, %select_n3A_235 : vector<1x2048xi1>, vector<1x2048xi32>
    %jit3A_241 = arith.constant -1 : i32
    %broadcast_in_dim3A_242 = vector.broadcast %jit3A_241 : i32 to vector<1x2048xi32>
    %select_n3A_243 = arith.select %gt3A_164, %select_n3A_240, %broadcast_in_dim3A_242 : vector<1x2048xi1>, vector<1x2048xi32>
    %swap3A = arith.constant 0 : index
    %swap3A_244 = arith.constant 0 : index
    %swap3A_245 = arith.constant 0 : index
    %swap3A_246 = vector.load %arg9[%swap3A, %swap3A_244, %swap3A_245] : memref<1x3x2048xf32, #tpu.memory_space<vmem>>, vector<1x3x2048xf32>
    %swap3A_247 = vector.shape_cast %swap3A_246 : vector<1x3x2048xf32> to vector<3x2048xf32>
    %swap3A_248 = vector.shape_cast %mul3A_158 : vector<3x2048xf32> to vector<1x3x2048xf32>
    tpu.vector_store %arg9[%swap3A, %swap3A_244, %swap3A_245], %swap3A_248 {strides = array<i32>} : memref<1x3x2048xf32, #tpu.memory_space<vmem>>, vector<1x3x2048xf32>,
    %swap3A_249 = arith.constant 0 : index
    %swap3A_250 = arith.constant 0 : index
    %swap3A_251 = arith.constant 0 : index
    %swap3A_252 = vector.load %arg10[%swap3A_249, %swap3A_250, %swap3A_251] : memref<1x1x2048xi32, #tpu.memory_space<vmem>>, vector<1x1x2048xi32>
    %swap3A_253 = vector.shape_cast %swap3A_252 : vector<1x1x2048xi32> to vector<1x2048xi32>
    %swap3A_254 = vector.shape_cast %select_n3A_243 : vector<1x2048xi32> to vector<1x1x2048xi32>
    tpu.vector_store %arg10[%swap3A_249, %swap3A_250, %swap3A_251], %swap3A_254 {strides = array<i32>} : memref<1x1x2048xi32, #tpu.memory_space<vmem>>, vector<1x1x2048xi32>,
    %eq3A_255 = arith.constant 0 : i32
    %eq3A_256 = arith.cmpi eq, %arg0, %eq3A_255 : i32
    %convert_element_type3A_257 = arith.extui %eq3A_256 : i1 to i32
    %cond3A = arith.constant 0 : i32
    %cond3A_258 = arith.cmpi ne, %convert_element_type3A_257, %cond3A : i32
    scf.if %cond3A_258 {
      %broadcast_in_dim3A_266 = arith.constant 0.000000e+00 : f32
      %broadcast_in_dim3A_267 = vector.broadcast %broadcast_in_dim3A_266 : f32 to vector<1x1xf32>
      %swap3A_268 = arith.constant 0 : index
      %swap3A_269 = arith.constant 0 : index
      %swap3A_270 = vector.load %arg11[%swap3A_268, %swap3A_269] : memref<1x1xf32, #tpu.memory_space<vmem>>, vector<1x1xf32>
      tpu.vector_store %arg11[%swap3A_268, %swap3A_269], %broadcast_in_dim3A_267 {strides = array<i32>} : memref<1x1xf32, #tpu.memory_space<vmem>>, vector<1x1xf32>,
    } else {
    }
    %get3A_259 = arith.constant 0 : index
    %get3A_260 = arith.constant 0 : index
    %get3A_261 = vector.load %arg11[%get3A_259, %get3A_260] : memref<1x1xf32, #tpu.memory_space<vmem>>, vector<1x1xf32>
    %add3A_262 = arith.addf %get3A_261, %reshape3A_226 : vector<1x1xf32>
    %swap3A_263 = arith.constant 0 : index
    %swap3A_264 = arith.constant 0 : index
    %swap3A_265 = vector.load %arg11[%swap3A_263, %swap3A_264] : memref<1x1xf32, #tpu.memory_space<vmem>>, vector<1x1xf32>
    tpu.vector_store %arg11[%swap3A_263, %swap3A_264], %add3A_262 {strides = array<i32>} : memref<1x1xf32, #tpu.memory_space<vmem>>, vector<1x1xf32>,
    return
  }
  func.func @transform_0(%arg0: i32) -> (i32, i32, i32, i32) {
    %c0_i32 = arith.constant 0 : i32
    %c0_i32_0 = arith.constant 0 : i32
    %c0_i32_1 = arith.constant 0 : i32
    %c0_i32_2 = arith.constant 0 : i32
    return %arg0, %c0_i32, %c0_i32_0, %c0_i32_1 : i32, i32, i32, i32
  }
  func.func @transform_1(%arg0: i32) -> (i32, i32, i32) {
    %c0_i32 = arith.constant 0 : i32
    %c0_i32_0 = arith.constant 0 : i32
    %c0_i32_1 = arith.constant 0 : i32
    return %arg0, %c0_i32, %c0_i32_0 : i32, i32, i32
  }
  func.func @transform_2(%arg0: i32) -> (i32, i32, i32) {
    %c0_i32 = arith.constant 0 : i32
    %c0_i32_0 = arith.constant 0 : i32
    %c0_i32_1 = arith.constant 0 : i32
    return %arg0, %c0_i32, %c0_i32_0 : i32, i32, i32
  }
  func.func @transform_3(%arg0: i32) -> (i32, i32, i32) {
    %c0_i32 = arith.constant 0 : i32
    %c0_i32_0 = arith.constant 0 : i32
    %c0_i32_1 = arith.constant 0 : i32
    return %arg0, %c0_i32, %c0_i32_0 : i32, i32, i32
  }
  func.func @transform_4(%arg0: i32) -> (i32, i32) {
    %c0_i32 = arith.constant 0 : i32
    %c0_i32_0 = arith.constant 0 : i32
    %c0_i32_1 = arith.constant 0 : i32
    return %c0_i32, %c0_i32_0 : i32, i32
  }
  func.func @transform_5(%arg0: i32) -> (i32, i32) {
    %c0_i32 = arith.constant 0 : i32
    %c0_i32_0 = arith.constant 0 : i32
    %c0_i32_1 = arith.constant 0 : i32
    return %c0_i32, %c0_i32_0 : i32, i32
  }
  func.func @transform_6(%arg0: i32) -> (i32, i32, i32) {
    %c0_i32 = arith.constant 0 : i32
    %c0_i32_0 = arith.constant 0 : i32
    %c0_i32_1 = arith.constant 0 : i32
    return %arg0, %c0_i32, %c0_i32_0 : i32, i32, i32
  }
  func.func @transform_7(%arg0: i32) -> (i32, i32, i32) {
    %c0_i32 = arith.constant 0 : i32
    %c0_i32_0 = arith.constant 0 : i32
    %c0_i32_1 = arith.constant 0 : i32
    return %arg0, %c0_i32, %c0_i32_0 : i32, i32, i32
  }
  func.func @transform_8(%arg0: i32) -> (i32, i32, i32) {
    %c0_i32 = arith.constant 0 : i32
    %c0_i32_0 = arith.constant 0 : i32
    %c0_i32_1 = arith.constant 0 : i32
    return %arg0, %c0_i32, %c0_i32_0 : i32, i32, i32
  }
  func.func @transform_9(%arg0: i32) -> (i32, i32, i32) {
    %c0_i32 = arith.constant 0 : i32
    %c0_i32_0 = arith.constant 0 : i32
    %c0_i32_1 = arith.constant 0 : i32
    return %arg0, %c0_i32, %c0_i32_0 : i32, i32, i32
  }
  func.func @transform_10(%arg0: i32) -> (i32, i32) {
    %c0_i32 = arith.constant 0 : i32
    %c0_i32_0 = arith.constant 0 : i32
    %c0_i32_1 = arith.constant 0 : i32
    return %c0_i32, %c0_i32_0 : i32, i32
  }
}

module attributes {stable_mosaic.version = 14 : i64} {
  func.func @_tca_body(%arg0: i32, %arg1: memref<1x3x256x768xf32, #tpu.memory_space<vmem>>, %arg2: memref<1x1x256xi32, #tpu.memory_space<vmem>>, %arg3: memref<1x1x256xi32, #tpu.memory_space<vmem>>, %arg4: memref<3x1536xf32, #tpu.memory_space<vmem>>, %arg5: memref<8x128xf32, #tpu.memory_space<vmem>>, %arg6: memref<1x1x768xf32, #tpu.memory_space<vmem>>, %arg7: memref<1x3x2048xf32, #tpu.memory_space<vmem>>) attributes {dimension_semantics = [#tpu.dimension_semantics<arbitrary>], iteration_bounds = array<i64: 4>, scalar_prefetch = 0 : i64, scratch_operands = 0 : i64, tpu.core_type = #tpu.core_type<tc>, window_params = [{transform_indices = @transform_0, window_bounds = array<i64: 1, 3, 256, 768>}, {transform_indices = @transform_1, window_bounds = array<i64: 1, 1, 256>}, {transform_indices = @transform_2, window_bounds = array<i64: 1, 1, 256>}, {pipeline_mode = #tpu.pipeline_mode<synchronous>, transform_indices = @transform_3, window_bounds = array<i64: 3, 1536>}, {pipeline_mode = #tpu.pipeline_mode<synchronous>, transform_indices = @transform_4, window_bounds = array<i64: 8, 128>}, {transform_indices = @transform_5, window_bounds = array<i64: 1, 1, 768>}, {transform_indices = @transform_6, window_bounds = array<i64: 1, 3, 2048>}]} {
    %get3A = arith.constant 0 : index
    %get3A_0 = arith.constant 0 : index
    %get3A_1 = arith.constant 0 : index
    %get3A_2 = arith.constant 0 : index
    %get3A_3 = vector.load %arg1[%get3A, %get3A_0, %get3A_1, %get3A_2] : memref<1x3x256x768xf32, #tpu.memory_space<vmem>>, vector<1x1x256x768xf32>
    %get3A_4 = vector.shape_cast %get3A_3 : vector<1x1x256x768xf32> to vector<256x768xf32>
    %get3A_5 = arith.constant 0 : index
    %get3A_6 = arith.constant 1 : index
    %get3A_7 = arith.constant 0 : index
    %get3A_8 = arith.constant 0 : index
    %get3A_9 = vector.load %arg1[%get3A_5, %get3A_6, %get3A_7, %get3A_8] : memref<1x3x256x768xf32, #tpu.memory_space<vmem>>, vector<1x1x256x768xf32>
    %get3A_10 = vector.shape_cast %get3A_9 : vector<1x1x256x768xf32> to vector<256x768xf32>
    %get3A_11 = arith.constant 0 : index
    %get3A_12 = arith.constant 2 : index
    %get3A_13 = arith.constant 0 : index
    %get3A_14 = arith.constant 0 : index
    %get3A_15 = vector.load %arg1[%get3A_11, %get3A_12, %get3A_13, %get3A_14] : memref<1x3x256x768xf32, #tpu.memory_space<vmem>>, vector<1x1x256x768xf32>
    %get3A_16 = vector.shape_cast %get3A_15 : vector<1x1x256x768xf32> to vector<256x768xf32>
    %get3A_17 = arith.constant 0 : index
    %get3A_18 = arith.constant 0 : index
    %get3A_19 = arith.constant 0 : index
    %get3A_20 = arith.constant 0 : index
    %get3A_21 = vector.load %arg1[%get3A_17, %get3A_18, %get3A_19, %get3A_20] : memref<1x3x256x768xf32, #tpu.memory_space<vmem>>, vector<1x1x256x768xf32>
    %get3A_22 = vector.shape_cast %get3A_21 : vector<1x1x256x768xf32> to vector<256x768xf32>
    %get3A_23 = arith.constant 0 : index
    %get3A_24 = arith.constant 0 : index
    %get3A_25 = arith.constant 0 : index
    %get3A_26 = vector.load %arg2[%get3A_23, %get3A_24, %get3A_25] : memref<1x1x256xi32, #tpu.memory_space<vmem>>, vector<1x1x256xi32>
    %get3A_27 = vector.shape_cast %get3A_26 : vector<1x1x256xi32> to vector<1x256xi32>
    %get3A_28 = arith.constant 0 : index
    %get3A_29 = arith.constant 0 : index
    %get3A_30 = arith.constant 0 : index
    %get3A_31 = vector.load %arg3[%get3A_28, %get3A_29, %get3A_30] : memref<1x1x256xi32, #tpu.memory_space<vmem>>, vector<1x1x256xi32>
    %get3A_32 = vector.shape_cast %get3A_31 : vector<1x1x256xi32> to vector<1x256xi32>
    %get3A_33 = arith.constant 0 : index
    %get3A_34 = arith.constant 0 : index
    %get3A_35 = vector.load %arg5[%get3A_33, %get3A_34] : memref<8x128xf32, #tpu.memory_space<vmem>>, vector<3x1xf32>
    %get3A_36 = arith.constant 0 : index
    %get3A_37 = arith.constant 0 : index
    %get3A_38 = arith.constant 0 : index
    %get3A_39 = vector.load %arg6[%get3A_36, %get3A_37, %get3A_38] : memref<1x1x768xf32, #tpu.memory_space<vmem>>, vector<1x1x768xf32>
    %get3A_40 = vector.shape_cast %get3A_39 : vector<1x1x768xf32> to vector<1x768xf32>
    %iota3A = tpu.iota {dimensions = array<i32: 1>} : vector<256x256xi32>
    %iota3A_41 = tpu.iota {dimensions = array<i32: 0>} : vector<256x256xi32>
    %lt3A = arith.cmpi slt, %iota3A, %iota3A_41 : vector<256x256xi32>
    %get3A_42 = arith.constant 0 : index
    %get3A_43 = arith.constant 0 : index
    %get3A_44 = vector.load %arg4[%get3A_42, %get3A_43] : memref<3x1536xf32, #tpu.memory_space<vmem>>, vector<3x768xf32>
    %get3A_45 = arith.constant 0 : index
    %get3A_46 = arith.constant 768 : index
    %get3A_47 = vector.load %arg4[%get3A_45, %get3A_46] : memref<3x1536xf32, #tpu.memory_space<vmem>>, vector<3x768xf32>
    %reshape3A = vector.shape_cast %get3A_27 : vector<1x256xi32> to vector<256x1xi32>
    %reshape3A_48 = vector.shape_cast %get3A_32 : vector<1x256xi32> to vector<256x1xi32>
    %dot_general3A = arith.constant dense<0.000000e+00> : vector<256x256xf32>
    %dot_general3A_49 = tpu.matmul %get3A_10, %get3A_4, %dot_general3A {dimension_numbers = #tpu.dot_dimension_numbers<[1], [1], [0], [0], [0, 0, 1, 0], [], []>, transpose_lhs_hint = false} : vector<256x768xf32>, vector<256x768xf32>, vector<256x256xf32> -> vector<256x256xf32>
    %mul3A = arith.constant 0.00999999977 : f32
    %mul3A_50 = vector.broadcast %mul3A : f32 to vector<256x256xf32>
    %mul3A_51 = arith.mulf %dot_general3A_49, %mul3A_50 : vector<256x256xf32>
    %ne3A = vector.broadcast %reshape3A_48 : vector<256x1xi32> to vector<256x256xi32>
    %ne3A_52 = vector.broadcast %get3A_27 : vector<1x256xi32> to vector<256x256xi32>
    %ne3A_53 = arith.cmpi ne, %ne3A, %ne3A_52 : vector<256x256xi32>
    %convert_element_type3A = arith.extui %ne3A_53 : vector<256x256xi1> to vector<256x256xi32>
    %convert_element_type3A_54 = arith.sitofp %convert_element_type3A : vector<256x256xi32> to vector<256x256xf32>
    %mul3A_55 = arith.mulf %mul3A_51, %convert_element_type3A_54 : vector<256x256xf32>
    %eq3A = vector.broadcast %reshape3A_48 : vector<256x1xi32> to vector<256x256xi32>
    %eq3A_56 = vector.broadcast %get3A_32 : vector<1x256xi32> to vector<256x256xi32>
    %eq3A_57 = arith.cmpi eq, %eq3A, %eq3A_56 : vector<256x256xi32>
    %and3A = arith.andi %eq3A_57, %lt3A : vector<256x256xi1>
    %reduce_or3A = arith.constant 1.000000e+00 : f32
    %reduce_or3A_58 = arith.constant 0.000000e+00 : f32
    %reduce_or3A_59 = vector.broadcast %reduce_or3A : f32 to vector<256x256xf32>
    %reduce_or3A_60 = vector.broadcast %reduce_or3A_58 : f32 to vector<256x256xf32>
    %reduce_or3A_61 = arith.select %and3A, %reduce_or3A_59, %reduce_or3A_60 : vector<256x256xi1>, vector<256x256xf32>
    %reduce_or3A_62 = arith.constant dense<0xFF800000> : vector<256xf32>
    %reduce_or3A_63 = vector.multi_reduction <maximumf>, %reduce_or3A_61, %reduce_or3A_62 [1] : vector<256x256xf32> to vector<256xf32>
    %reduce_or3A_64 = arith.constant 0.000000e+00 : f32
    %reduce_or3A_65 = vector.broadcast %reduce_or3A_64 : f32 to vector<256xf32>
    %reduce_or3A_66 = arith.cmpf ogt, %reduce_or3A_63, %reduce_or3A_65 : vector<256xf32>
    %broadcast_in_dim3A = vector.shape_cast %reduce_or3A_66 : vector<256xi1> to vector<256x1xi1>
    %jit3A = arith.constant 0.000000e+00 : f32
    %jit3A_67 = arith.constant 1.000000e+00 : f32
    %broadcast_in_dim3A_68 = vector.broadcast %jit3A : f32 to vector<256x1xf32>
    %broadcast_in_dim3A_69 = vector.broadcast %jit3A_67 : f32 to vector<256x1xf32>
    %select_n3A = arith.select %broadcast_in_dim3A, %broadcast_in_dim3A_68, %broadcast_in_dim3A_69 : vector<256x1xi1>, vector<256x1xf32>
    %mul3A_70 = vector.broadcast %select_n3A : vector<256x1xf32> to vector<256x256xf32>
    %mul3A_71 = arith.mulf %mul3A_55, %mul3A_70 : vector<256x256xf32>
    %reduce_sum3A = arith.constant dense<0.000000e+00> : vector<256xf32>
    %reduce_sum3A_72 = vector.multi_reduction <add>, %mul3A_71, %reduce_sum3A [0] : vector<256x256xf32> to vector<256xf32>
    %broadcast_in_dim3A_73 = vector.shape_cast %reduce_sum3A_72 : vector<256xf32> to vector<1x256xf32>
    %sub3A = vector.broadcast %broadcast_in_dim3A_73 : vector<1x256xf32> to vector<256x256xf32>
    %sub3A_74 = arith.subf %mul3A_55, %sub3A : vector<256x256xf32>
    %exp3A = math.exp %sub3A_74 : vector<256x256xf32>
    %mul3A_75 = arith.mulf %exp3A, %convert_element_type3A_54 : vector<256x256xf32>
    %reduce_max3A = arith.constant dense<0xFF800000> : vector<256xf32>
    %reduce_max3A_76 = vector.multi_reduction <maximumf>, %mul3A_75, %reduce_max3A [0] : vector<256x256xf32> to vector<256xf32>
    %broadcast_in_dim3A_77 = vector.shape_cast %reduce_max3A_76 : vector<256xf32> to vector<1x256xf32>
    %gt3A = arith.constant 0.000000e+00 : f32
    %gt3A_78 = vector.broadcast %gt3A : f32 to vector<1x256xf32>
    %gt3A_79 = arith.cmpf ogt, %broadcast_in_dim3A_77, %gt3A_78 : vector<1x256xf32>
    %eq3A_80 = vector.broadcast %broadcast_in_dim3A_77 : vector<1x256xf32> to vector<256x256xf32>
    %eq3A_81 = arith.cmpf oeq, %mul3A_75, %eq3A_80 : vector<256x256xf32>
    %gt3A_82 = arith.constant 0.000000e+00 : f32
    %gt3A_83 = vector.broadcast %gt3A_82 : f32 to vector<256x256xf32>
    %gt3A_84 = arith.cmpf ogt, %convert_element_type3A_54, %gt3A_83 : vector<256x256xf32>
    %and3A_85 = arith.andi %eq3A_81, %gt3A_84 : vector<256x256xi1>
    %and3A_86 = vector.broadcast %gt3A_79 : vector<1x256xi1> to vector<256x256xi1>
    %and3A_87 = arith.andi %and3A_85, %and3A_86 : vector<256x256xi1>
    %broadcast_in_dim3A_88 = vector.shape_cast %reshape3A_48 : vector<256x1xi32> to vector<256x1xi32>
    %broadcast_in_dim3A_89 = vector.broadcast %broadcast_in_dim3A_88 : vector<256x1xi32> to vector<256x256xi32>
    %jit3A_90 = arith.constant 1073741824 : i32
    %broadcast_in_dim3A_91 = vector.broadcast %jit3A_90 : i32 to vector<256x256xi32>
    %select_n3A_92 = arith.select %and3A_87, %broadcast_in_dim3A_89, %broadcast_in_dim3A_91 : vector<256x256xi1>, vector<256x256xi32>
    %reduce_min3A = arith.constant dense<2147483647> : vector<256xi32>
    %reduce_min3A_93 = vector.multi_reduction <minsi>, %select_n3A_92, %reduce_min3A [0] : vector<256x256xi32> to vector<256xi32>
    %broadcast_in_dim3A_94 = vector.shape_cast %reduce_min3A_93 : vector<256xi32> to vector<1x256xi32>
    %eq3A_95 = vector.broadcast %broadcast_in_dim3A_94 : vector<1x256xi32> to vector<256x256xi32>
    %eq3A_96 = arith.cmpi eq, %broadcast_in_dim3A_89, %eq3A_95 : vector<256x256xi32>
    %and3A_97 = arith.andi %and3A_87, %eq3A_96 : vector<256x256xi1>
    %convert_element_type3A_98 = arith.extui %and3A_97 : vector<256x256xi1> to vector<256x256xi32>
    %convert_element_type3A_99 = arith.sitofp %convert_element_type3A_98 : vector<256x256xi32> to vector<256x256xf32>
    %reduce_sum3A_100 = arith.constant dense<0.000000e+00> : vector<256xf32>
    %reduce_sum3A_101 = vector.multi_reduction <add>, %convert_element_type3A_99, %reduce_sum3A_100 [0] : vector<256x256xf32> to vector<256xf32>
    %broadcast_in_dim3A_102 = vector.shape_cast %reduce_sum3A_101 : vector<256xf32> to vector<1x256xf32>
    %dot_general3A_103 = arith.constant dense<0.000000e+00> : vector<3x256xf32>
    %dot_general3A_104 = tpu.matmul %get3A_47, %get3A_16, %dot_general3A_103 {dimension_numbers = #tpu.dot_dimension_numbers<[1], [1], [0], [0], [0, 0, 1, 0], [], []>, transpose_lhs_hint = false} : vector<3x768xf32>, vector<256x768xf32>, vector<3x256xf32> -> vector<3x256xf32>
    %dot_general3A_105 = arith.constant dense<0.000000e+00> : vector<3x256xf32>
    %dot_general3A_106 = tpu.matmul %dot_general3A_104, %convert_element_type3A_99, %dot_general3A_105 {dimension_numbers = #tpu.dot_dimension_numbers<[1], [0], [0], [1], [0, 0, 1, 1], [], []>, precision = #tpu.contract_precision<fp32>, transpose_lhs_hint = false} : vector<3x256xf32>, vector<256x256xf32>, vector<3x256xf32> -> vector<3x256xf32>
    %max3A = arith.constant 1.000000e+00 : f32
    %max3A_107 = vector.broadcast %max3A : f32 to vector<1x256xf32>
    %max3A_108 = arith.maximumf %broadcast_in_dim3A_102, %max3A_107 : vector<1x256xf32>
    %div3A = vector.broadcast %max3A_108 : vector<1x256xf32> to vector<3x256xf32>
    %div3A_109 = arith.divf %dot_general3A_106, %div3A : vector<3x256xf32>
    %dot_general3A_110 = arith.constant dense<0.000000e+00> : vector<3x1xf32>
    %dot_general3A_111 = tpu.matmul %get3A_47, %get3A_40, %dot_general3A_110 {dimension_numbers = #tpu.dot_dimension_numbers<[1], [1], [0], [0], [0, 0, 1, 0], [], []>, transpose_lhs_hint = false} : vector<3x768xf32>, vector<1x768xf32>, vector<3x1xf32> -> vector<3x1xf32>
    %broadcast_in_dim3A_112 = vector.shape_cast %dot_general3A_111 : vector<3x1xf32> to vector<3x1xf32>
    %broadcast_in_dim3A_113 = vector.broadcast %broadcast_in_dim3A_112 : vector<3x1xf32> to vector<3x256xf32>
    %broadcast_in_dim3A_114 = vector.shape_cast %gt3A_79 : vector<1x256xi1> to vector<1x256xi1>
    %broadcast_in_dim3A_115 = vector.broadcast %broadcast_in_dim3A_114 : vector<1x256xi1> to vector<3x256xi1>
    %select_n3A_116 = arith.select %broadcast_in_dim3A_115, %div3A_109, %broadcast_in_dim3A_113 : vector<3x256xi1>, vector<3x256xf32>
    %dot_general3A_117 = arith.constant dense<0.000000e+00> : vector<3x256xf32>
    %dot_general3A_118 = tpu.matmul %get3A_44, %get3A_22, %dot_general3A_117 {dimension_numbers = #tpu.dot_dimension_numbers<[1], [1], [0], [0], [0, 0, 1, 0], [], []>, transpose_lhs_hint = false} : vector<3x768xf32>, vector<256x768xf32>, vector<3x256xf32> -> vector<3x256xf32>
    %add3A = arith.addf %dot_general3A_118, %select_n3A_116 : vector<3x256xf32>
    %add3A_119 = vector.broadcast %get3A_35 : vector<3x1xf32> to vector<3x256xf32>
    %add3A_120 = arith.addf %add3A, %add3A_119 : vector<3x256xf32>
    %eq3A_121 = vector.broadcast %reshape3A : vector<256x1xi32> to vector<256x256xi32>
    %eq3A_122 = vector.broadcast %get3A_27 : vector<1x256xi32> to vector<256x256xi32>
    %eq3A_123 = arith.cmpi eq, %eq3A_121, %eq3A_122 : vector<256x256xi32>
    %and3A_124 = arith.andi %eq3A_123, %lt3A : vector<256x256xi1>
    %reduce_or3A_125 = arith.constant 1.000000e+00 : f32
    %reduce_or3A_126 = arith.constant 0.000000e+00 : f32
    %reduce_or3A_127 = vector.broadcast %reduce_or3A_125 : f32 to vector<256x256xf32>
    %reduce_or3A_128 = vector.broadcast %reduce_or3A_126 : f32 to vector<256x256xf32>
    %reduce_or3A_129 = arith.select %and3A_124, %reduce_or3A_127, %reduce_or3A_128 : vector<256x256xi1>, vector<256x256xf32>
    %reduce_or3A_130 = arith.constant dense<0xFF800000> : vector<256xf32>
    %reduce_or3A_131 = vector.multi_reduction <maximumf>, %reduce_or3A_129, %reduce_or3A_130 [1] : vector<256x256xf32> to vector<256xf32>
    %reduce_or3A_132 = arith.constant 0.000000e+00 : f32
    %reduce_or3A_133 = vector.broadcast %reduce_or3A_132 : f32 to vector<256xf32>
    %reduce_or3A_134 = arith.cmpf ogt, %reduce_or3A_131, %reduce_or3A_133 : vector<256xf32>
    %broadcast_in_dim3A_135 = vector.shape_cast %reduce_or3A_134 : vector<256xi1> to vector<256x1xi1>
    %jit3A_136 = arith.constant 0.000000e+00 : f32
    %jit3A_137 = arith.constant 1.000000e+00 : f32
    %broadcast_in_dim3A_138 = vector.broadcast %jit3A_136 : f32 to vector<256x1xf32>
    %broadcast_in_dim3A_139 = vector.broadcast %jit3A_137 : f32 to vector<256x1xf32>
    %select_n3A_140 = arith.select %broadcast_in_dim3A_135, %broadcast_in_dim3A_138, %broadcast_in_dim3A_139 : vector<256x1xi1>, vector<256x1xf32>
    %iota3A_141 = tpu.iota {dimensions = array<i32: 1>} : vector<256x2048xi32>
    %eq3A_142 = vector.broadcast %reshape3A : vector<256x1xi32> to vector<256x2048xi32>
    %eq3A_143 = arith.cmpi eq, %eq3A_142, %iota3A_141 : vector<256x2048xi32>
    %convert_element_type3A_144 = arith.extui %eq3A_143 : vector<256x2048xi1> to vector<256x2048xi32>
    %convert_element_type3A_145 = arith.sitofp %convert_element_type3A_144 : vector<256x2048xi32> to vector<256x2048xf32>
    %mul3A_146 = vector.broadcast %select_n3A_140 : vector<256x1xf32> to vector<256x2048xf32>
    %mul3A_147 = arith.mulf %convert_element_type3A_145, %mul3A_146 : vector<256x2048xf32>
    %dot_general3A_148 = arith.constant dense<0.000000e+00> : vector<3x2048xf32>
    %dot_general3A_149 = tpu.matmul %add3A_120, %mul3A_147, %dot_general3A_148 {dimension_numbers = #tpu.dot_dimension_numbers<[1], [0], [0], [1], [0, 0, 1, 1], [], []>, precision = #tpu.contract_precision<fp32>, transpose_lhs_hint = false} : vector<3x256xf32>, vector<256x2048xf32>, vector<3x2048xf32> -> vector<3x2048xf32>
    %swap3A = arith.constant 0 : index
    %swap3A_150 = arith.constant 0 : index
    %swap3A_151 = arith.constant 0 : index
    %swap3A_152 = vector.load %arg7[%swap3A, %swap3A_150, %swap3A_151] : memref<1x3x2048xf32, #tpu.memory_space<vmem>>, vector<1x3x2048xf32>
    %swap3A_153 = vector.shape_cast %swap3A_152 : vector<1x3x2048xf32> to vector<3x2048xf32>
    %swap3A_154 = vector.shape_cast %dot_general3A_149 : vector<3x2048xf32> to vector<1x3x2048xf32>
    tpu.vector_store %arg7[%swap3A, %swap3A_150, %swap3A_151], %swap3A_154 {strides = array<i32>} : memref<1x3x2048xf32, #tpu.memory_space<vmem>>, vector<1x3x2048xf32>,
    return
  }
  func.func @transform_0(%arg0: i32) -> (i32, i32, i32, i32) {
    %c0_i32 = arith.constant 0 : i32
    %c0_i32_0 = arith.constant 0 : i32
    %c0_i32_1 = arith.constant 0 : i32
    %c0_i32_2 = arith.constant 0 : i32
    return %arg0, %c0_i32, %c0_i32_0, %c0_i32_1 : i32, i32, i32, i32
  }
  func.func @transform_1(%arg0: i32) -> (i32, i32, i32) {
    %c0_i32 = arith.constant 0 : i32
    %c0_i32_0 = arith.constant 0 : i32
    %c0_i32_1 = arith.constant 0 : i32
    return %arg0, %c0_i32, %c0_i32_0 : i32, i32, i32
  }
  func.func @transform_2(%arg0: i32) -> (i32, i32, i32) {
    %c0_i32 = arith.constant 0 : i32
    %c0_i32_0 = arith.constant 0 : i32
    %c0_i32_1 = arith.constant 0 : i32
    return %arg0, %c0_i32, %c0_i32_0 : i32, i32, i32
  }
  func.func @transform_3(%arg0: i32) -> (i32, i32) {
    %c0_i32 = arith.constant 0 : i32
    %c0_i32_0 = arith.constant 0 : i32
    %c0_i32_1 = arith.constant 0 : i32
    return %c0_i32, %c0_i32_0 : i32, i32
  }
  func.func @transform_4(%arg0: i32) -> (i32, i32) {
    %c0_i32 = arith.constant 0 : i32
    %c0_i32_0 = arith.constant 0 : i32
    %c0_i32_1 = arith.constant 0 : i32
    return %c0_i32, %c0_i32_0 : i32, i32
  }
  func.func @transform_5(%arg0: i32) -> (i32, i32, i32) {
    %c0_i32 = arith.constant 0 : i32
    %c0_i32_0 = arith.constant 0 : i32
    %c0_i32_1 = arith.constant 0 : i32
    return %arg0, %c0_i32, %c0_i32_0 : i32, i32, i32
  }
  func.func @transform_6(%arg0: i32) -> (i32, i32, i32) {
    %c0_i32 = arith.constant 0 : i32
    %c0_i32_0 = arith.constant 0 : i32
    %c0_i32_1 = arith.constant 0 : i32
    return %arg0, %c0_i32, %c0_i32_0 : i32, i32, i32
  }
}

</mosaic_0001>

<sc_bundles>
// kernel: kernel.6.cloned.1.call-start
scs
__scs_entry_jumppad:
0x0: {  	(pc) =	sbr.rel $0x88, $3  }
0x1: {  	(tag) =	ssettag $0x0;
	lr =	simm.s32 $0x1  }
0x2: {  	[smem:$0x3F94] =	sst lr;
	_ =	strace $0xD0000000  }
0x3: {  	_ = 	snop  }
0x4: {  	_ = 	snop  }
0x5: {  	_ = 	snop  }
0x6: {  	_ = 	snop  }
0x7: {  	_ = 	snop  }
__scs_overlays_trampoline_lowered:
0x8: {  	[smem:$0x3FA3] =	sst s0  }
0x9: {  	[smem:$0x3FA4] =	sst s1  }
0xa: {  	[smem:$0x3FA5] =	sst s2  }
0xb: {  	[smem:$0x3FA6] =	sst s3  }
0xc: {  	[smem:$0x3FA7] =	sst s4  }
0xd: {  	[smem:$0x3FA8] =	sst s5  }
0xe: {  	[smem:$0x3FA9] =	sst s6  }
0xf: {  	[smem:$0x3FAA] =	sst s7  }
0x10: {  	[smem:$0x3FAB] =	sst s8  }
0x11: {  	[smem:$0x3FAC] =	sst s9;
	s0 =	simm.s32 @!p0 $0x0  }
0x12: {  	s1 =	sld [smem:$0x3F92];
	s0 =	simm.s32 @p0 $0x1  }
0x13: {  	[smem:$0x3FAD] =	sst s0;
	s0 =	simm.s32 @!p1 $0x0  }
0x14: {  	s2 =	sld [smem:$0x3F91];
	s0 =	simm.s32 @p1 $0x1  }
0x15: {  	[smem:$0x3FAE] =	sst s0;
	s0 =	simm.s32 @!p2 $0x0  }
0x16: {  	s3 =	sld [smem:$0x3FDB];
	s0 =	simm.s32 @p2 $0x1  }
0x17: {  	s4 =	simm.s32 $0x1BF5;
	[smem:$0x3FB0] =	sst s0  }
0x18: {  	s0 =	sld [smem:$0x3F93];
	_ =	swait.ge [sflag:s4], $0x0  }
0x19: {  	s7 =	sld [smem:$0x3F94]  }
0x1a: {  	s8 =	sadd.s32 $0xFFFFE003, lr  }
0x1b: {  	s9 =	sadd.s32 $0xFFFFFEF7, lr;
	s5 =	simm.s32 $0xFFFFFFFF;
	p2 =	slt.u32 s8, $0xFFFFF086  }
0x1c: {  	p1 =	slt.u32 s9, $0xF7A;
	s5 =	simm.s32 @!p2 $0x0  }
0x1d: {  	s5 =	simm.s32 @p1 $0x1;
	p0 =	seq.s32 s7, s2  }
0x1e: {  	s7 =	smul.u32 @!p0 $0xF7A, s2;
	p2 =	seq.s32 @!p0 s5, $0x0  }
0x1f: {  	s9 =	smul.u32 $0xF7A, s1;
	s8 =	simm.s32 @!p0 $0x1BF5;
	p2 =	por !p2, p0  }
0x20: {  	[sflag:s8] =	ssyncset.s32 @!p0 $0xFFFFF086;
	s6 =	sadd.s32 @!p0 s3, s7;
	s7 =	simm.s32 @!p0 $0x108  }
0x21: {  	s3 =	sadd.s32 s3, s9;
	s6 =	sadd.s32 @!p0 $0x88, s6;
	s7 =	simm.s32 @p2 $0x1082  }
0x22: {  	[simem:s7], [sflag:s8] =	dma.local @!p0 [hbm:s6], $0xF7A  }
0x23: {  	s9 =	sor.u32 $0xD0000000, s2;
	s6 =	simm.s32 $0x108;
	_ =	swait.ge @!p0 [sflag:s8], $0x0  }
0x24: {  	s3 =	sadd.s32 $0x88, s3;
	s6 =	simm.s32 @!p1 $0x1082;
	[sflag:s4] =	ssyncset.s32 $0xFFFFF086  }
0x25: {  	[simem:s6], [sflag:s4] =	dma.local [hbm:s3], $0xF7A  }
0x26: {  	[smem:$0x3F94] =	sst s1;
	(tag) =	ssettag s2;
	_ =	strace s9  }
0x27: {  	s1 =	sld [smem:$0x3FA4]  }
0x28: {  	s2 =	sld [smem:$0x3FA5]  }
0x29: {  	s4 =	sld [smem:$0x3FA7]  }
0x2a: {  	p0 =	seq.s32 s5, $0x0;
	s5 =	sld [smem:$0x3FA8]  }
0x2b: {  	s6 =	sld [smem:$0x3FA9]  }
0x2c: {  	s7 =	sld [smem:$0x3FAA]  }
0x2d: {  	s3 =	simm.s32 $0x108;
	s8 =	sld [smem:$0x3FAB]  }
0x2e: {  	s3 =	simm.s32 @!p0 $0x1082;
	s9 =	sld [smem:$0x3FAC]  }
0x2f: {  	lr =	sadd.s32 s0, s3;
	s0 =	sld [smem:$0x3FA3]  }
0x30: {  	s3 =	sld [smem:$0x3FA6]  }
0x31: {  	[smem:$0x3FAF] =	sst s10  }
0x32: {  	s10 =	sld [smem:$0x3FAD];
	_ =	sdelay $0x3  }
0x33: {  	p0 =	seq.s32 s10, $0x1;
	s10 =	sld [smem:$0x3FAF];
	_ =	sdelay $0x3  }
0x34: {  	[smem:$0x3FAF] =	sst s10  }
0x35: {  	s10 =	sld [smem:$0x3FAE];
	_ =	sdelay $0x3  }
0x36: {  	p1 =	seq.s32 s10, $0x1;
	s10 =	sld [smem:$0x3FAF];
	_ =	sdelay $0x3  }
0x37: {  	[smem:$0x3FAF] =	sst s10  }
0x38: {  	s10 =	sld [smem:$0x3FB0]  }
0x39: {  	_ = 	snop;
	(pc) =	sbr.ind lr, $3  }
0x3a: {  	_ = 	snop  }
0x3b: {  	_ = 	snop  }
0x3c: {  	p2 =	seq.s32 s10, $0x1;
	s10 =	sld [smem:$0x3FAF]  }
0x3d: {  	_ =	shalt  }
0x3e: {  	_ =	shalt  }
0x3f: {  	_ =	shalt  }
0x40: {  	_ =	shalt  }
0x41: {  	_ =	shalt  }
0x42: {  	_ =	shalt  }
0x43: {  	_ =	shalt  }
0x44: {  	_ =	shalt  }
0x45: {  	_ =	shalt  }
0x46: {  	_ =	shalt  }
0x47: {  	_ =	shalt  }
0x48: {  	_ =	shalt  }
0x49: {  	_ =	shalt  }
0x4a: {  	_ =	shalt  }
0x4b: {  	_ =	shalt  }
0x4c: {  	_ =	shalt  }
0x4d: {  	_ =	shalt  }
0x4e: {  	_ =	shalt  }
0x4f: {  	_ =	shalt  }
0x50: {  	_ =	shalt  }
0x51: {  	_ =	shalt  }
0x52: {  	_ =	shalt  }
0x53: {  	_ =	shalt  }
0x54: {  	_ =	shalt  }
0x55: {  	_ =	shalt  }
0x56: {  	_ =	shalt  }
0x57: {  	_ =	shalt  }
0x58: {  	_ =	shalt  }
0x59: {  	_ =	shalt  }
0x5a: {  	_ =	shalt  }
0x5b: {  	_ =	shalt  }
0x5c: {  	_ =	shalt  }
0x5d: {  	_ =	shalt  }
0x5e: {  	_ =	shalt  }
0x5f: {  	_ =	shalt  }
0x60: {  	_ =	shalt  }
0x61: {  	_ =	shalt  }
0x62: {  	_ =	shalt  }
0x63: {  	_ =	shalt  }
0x64: {  	_ =	shalt  }
0x65: {  	_ =	shalt  }
0x66: {  	_ =	shalt  }
0x67: {  	_ =	shalt  }
0x68: {  	_ =	shalt  }
0x69: {  	_ =	shalt  }
0x6a: {  	_ =	shalt  }
0x6b: {  	_ =	shalt  }
0x6c: {  	_ =	shalt  }
0x6d: {  	_ =	shalt  }
0x6e: {  	_ =	shalt  }
0x6f: {  	_ =	shalt  }
0x70: {  	_ =	shalt  }
0x71: {  	_ =	shalt  }
0x72: {  	_ =	shalt  }
0x73: {  	_ =	shalt  }
0x74: {  	_ =	shalt  }
0x75: {  	_ =	shalt  }
0x76: {  	_ =	shalt  }
0x77: {  	_ =	shalt  }
0x78: {  	_ =	shalt  }
0x79: {  	_ =	shalt  }
0x7a: {  	_ =	shalt  }
0x7b: {  	_ =	shalt  }
0x7c: {  	_ =	shalt  }
0x7d: {  	_ =	shalt  }
0x7e: {  	_ =	shalt  }
0x7f: {  	_ =	shalt  }
0x80: {  	_ =	shalt  }
0x81: {  	_ =	shalt  }
0x82: {  	_ =	shalt  }
0x83: {  	_ =	shalt  }
0x84: {  	_ =	shalt  }
0x85: {  	_ =	shalt  }
0x86: {  	_ =	shalt  }
0x87: {  	_ =	shalt  }
.Lfunc_end0:
.L_simem_size_0:
called_computation_lowered:
.L_overlay_start_0:
0x88: {  	s2 =	sld [smem:$0x3FD9]  }
0x89: {  	s3 =	sld [smem:$0x3FFE];
	_ =	sdelay $0x1  }
0x8a: {  	s1 =	srdreg.scid  }
0x8b: {  	s0 =	sand.u32 $0x1, s1  }
0x8c: {  	s14 =	sshll.u32 s0, $0xA;
	s2 =	sadd.s32 s3, s2  }
0x8d: {  	s2 =	sadd.s32 s2, s14  }
0x8e: {  	[smem:$0x3FBB] =	sst s2  }
0x8f: {  	_ = 	snop  }
0x90: {  	s2 =	sld [smem:$0x3FD0];
	_ =	sdelay $0x1  }
0x91: {  	s15 =	sld [smem:$0x3FC9]  }
0x92: {  	s5 =	simm.s32 $0xB;
	s6 =	simm.s32 $0x10;
	s4 =	sld [smem:$0x3FC8]  }
0x93: {  	[smem:s6], [sflag:s5] =	dma.local [hbm:s2], $0x1  }
0x94: {  	_ =	swait.eq [sflag:s5], $0x1  }
0x95: {  	[sflag:s5] =	ssyncset.done $0x0  }
0x96: {  	[sflag:s5] =	ssyncadd.s32 $0xFFFFFFFF  }
0x97: {  	s16 =	sld [smem:$0x11];
	(tm) =	ssettm $0x1  }
0x98: {  	s17 =	sld [smem:$0x3FFB];
	_ =	sdelay $0x3  }
0x99: {  	_ =	strace s17  }
0x9a: {  	s5 =	sld [smem:$0x3FFC];
	_ =	sdelay $0x3  }
0x9b: {  	_ =	strace s5  }
0x9c: {  	s5 =	sld [smem:$0x3FFD];
	_ =	sdelay $0x3  }
0x9d: {  	_ =	strace s5  }
0x9e: {  	_ =	strace $0x8FFFFFFF  }
0x9f: {  	s18 =	sld [smem:$0x3FDB];
	_ =	sdelay $0x1  }
0xa0: {  	s19 =	simm.s32 $_scs_section_size  }
0xa1: {  	s7 =	simm.s32 $_size__tile_overlayer_lowered;
	s8 =	simm.s32 $_tile_overlayer_lowered  }
0xa2: {  	s22 =	simm.s32 $0x1BFF;
	s21 =	sshll.u32 s8, $0x1;
	s5 =	sadd.s32 s19, s18  }
0xa3: {  	s9 =	simm.s32 $0x0;
	s20 =	sshll.u32 s7, $0x1;
	s7 =	sadd.s32 s21, s5  }
0xa4: {  	[timem:s9], [sflag:s22] =	dma.local [hbm:s7], s20  }
0xa5: {  	_ =	swait.ge [sflag:s22], s20  }
0xa6: {  	s6 =	ssub.s32 $0x0, s20;
	[sflag:s22] =	ssyncset.done $0x0  }
0xa7: {  	[sflag:s22] =	ssyncadd.s32 s6;
	_ =	sdelay $0x1  }
0xa8: {  	s23 =	simm.s32 $0x1B8B  }
0xa9: {  	_ =	swait.ge [sflag:s23], $0x1  }
0xaa: {  	[sflag:s23] =	ssyncset.done $0x0  }
0xab: {  	s25 =	simm.s32 $0x1B8E;
	s24 =	sld [smem:$0x3FFE];
	[sflag:s23] =	ssyncadd.s32 $0xFFFFFFFF  }
0xac: {  	s26 =	simm.s32 $execute0_lowered;
	[smem:$0x3FD2] =	sst s25  }
0xad: {  	s7 =	sshll.u32 s26, $0x1;
	_ =	strace $0x80000046;
	[dreg:$0x1] =	wrdreg $0xFFFFFFFF  }
0xae: {  	s28 =	simm.s32 $_size_execute0_lowered;
	s5 =	sadd.s32 s5, s7;
	[dreg:$0x0] =	wrdreg $0x0  }
0xaf: {  	s7 =	sshll.u32 s28, $0x1;
	[dreg:$0x2] =	wrdreg s5  }
0xb0: {  	[dreg:$0x3] =	wrdreg s7  }
0xb1: {  	[dreg:$0x4] =	wrdreg $0xC0  }
0xb2: {  	_ =	task [dreg:s9], $0x5FFFF  }
0xb3: {  	[dreg:$0x1] =	wrdreg $0xFFFFFFFF  }
0xb4: {  	[dreg:$0x0] =	wrdreg $0x60  }
0xb5: {  	[dreg:$0x2] =	wrdreg s15  }
0xb6: {  	[dreg:$0x3] =	wrdreg s4  }
0xb7: {  	[dreg:$0x4] =	wrdreg s16  }
0xb8: {  	[dreg:$0x5] =	wrdreg s24  }
0xb9: {  	[dreg:$0x6] =	wrdreg $0x9  }
0xba: {  	_ =	task.clear_ibuf [dreg:s9], $0x7FFFF;
	_ =	strace $0x90000046  }
0xbb: {  	s29 =	simm.s32 $0x9;
	_ =	strace $0x80000048  }
0xbc: {  	_ =	swait.ge [sflag:s29], $0x1  }
0xbd: {  	[sflag:s29] =	ssyncadd.s32 $0xFFFFFFFF  }
0xbe: {  	_ =	strace $0x90000048  }
0xbf: {  	_ =	sfence  }
0xc0: {  	s30 =	sld [smem:$0x0];
	_ =	sdelay $0x2  }
0xc1: {  	s31 =	sshll.u32 s1, $0xD;
	s1 =	sshrl.u32 s1, $0x2  }
0xc2: {  	s3 =	sand.u32 $0x4000, s31;
	s1 =	sadd.s32 s1, s30  }
0xc3: {  	s0 =	sor.u32 s3, s0;
	s1 =	sshll.u32 s1, $0x11  }
0xc4: {  	s0 =	sor.u32 s1, s0  }
0xc5: {  	s0 =	sadd.s32 $0x8F2B, s0  }
0xc6: {  	[sflag:s0] =	ssyncadd.remote.s32 $0x1  }
0xc7: {  	_ =	sfence.sel $0xFFFF  }
0xc8: {  	[dreg:$0x0] =	wrdreg $0xFFFFFFFF;
	(pc) =	sbr.abs _section_cstart, $3  }
0xc9: {  	[dreg:$0x1] =	wrdreg $0xFFFFFFFF  }
0xca: {  	_ =	task.clear_ibuf [dreg:s9], $0x2FFFF;
	_ =	strace $0x9FFFFFFF  }
0xcb: {  	(tm) =	ssettm $0x7FFFFFFF  }
tec
execute0_lowered:
.L_overlay_start_1:
0x0: {  	(tag) =	ssettag $0x1  }
0x1: {  	s1 =	rddreg [dreg:$0x0]  }
0x2: {  	s2 =	rddreg [dreg:$0x1]  }
0x3: {  	s5 =	rddreg [dreg:$0x2]  }
0x4: {  	s6 =	rddreg [dreg:$0x3];
	s4 =	simm.s32 $0x0;
	s3 =	stileid.u32  }
0x5: {  	s0 =	srdreg.scid;
	s16 =	simm.s32 $0x4080;
	s18 =	simm.s32 $0x4880  }
0x6: {  	s19 =	simm.s32 $0x5080;
	s28 =	simm.s32 $0xF900;
	s29 =	simm.s32 $0x10100  }
0x7: {  	s30 =	simm.s32 $0x10900;
	s31 =	simm.s32 $0x11100;
	[smem:$0x7FF] =	sst s4  }
0x8: {  	s7 =	sshll.u32 s3, $0x1;
	s8 =	sand.u32 $0x1, s0;
	s20 =	sshrl.u32 s3, $0x2  }
0x9: {  	s10 =	sshll.u32 s3, $0x9;
	s6 =	sadd.s32 $0x2200, s6;
	s23 =	sshll.u32 s3, $0x8  }
0xa: {  	s7 =	sand.u32 $0x6, s7;
	s10 =	sand.u32 $0x200, s10;
	s13 =	smul.u32 $0x3, s20  }
0xb: {  	_ =	strace $0x80000047;
	s14 =	sshll.u32 s20, $0x7;
	[dreg:$0x10] =	wrdreg s16  }
0xc: {  	s24 =	smul.u32 $0x300, s20;
	s0 =	sshll.u32 s20, $0xB;
	[dreg:$0x11] =	wrdreg s18  }
0xd: {  	[dreg:$0x12] =	wrdreg s19;
	s20 =	simm.s32 $0x5880;
	s16 =	simm.s32 $0xB080  }
0xe: {  	s18 =	simm.s32 $0x1;
	s19 =	simm.s32 $0xC080;
	s9 =	sor.u32 s8, s7  }
0xf: {  	s7 =	sshrl.u32 s7, $0x2;
	[dreg:$0x13] =	wrdreg s20;
	s20 =	simm.s32 $0xC100  }
0x10: {  	v0 =	vmov s0;
	s0 =	simm.s32 $0x11900;
	s11 =	sshll.u32 s7, $0xA;
	s12 =	sshll.u32 s9, $0x6  }
0x11: {  	s7 =	sadd.s32 s13, s7;
	s9 =	sshll.u32 s9, $0x5;
	s13 =	ssub.s32 $0x2, s8  }
0x12: {  	s8 =	sadd.s32 $0x200, s2;
	s10 =	sor.u32 s10, s11;
	s21 =	sand.u32 $0x40, s12  }
0x13: {  	s7 =	sshll.u32 s7, $0x8;
	s22 =	sand.u32 $0xC0, s12;
	s25 =	sor.u32 s9, s23  }
0x14: {  	s9 =	sor.u32 s9, s24;
	s12 =	simm.s32 $0x3080;
	s15 =	sshrl.u32 s13, $0x1  }
0x15: {  	s23 =	simm.s32 $0x7080;
	s24 =	simm.s32 $0x7880;
	s10 =	sor.u32 s21, s10  }
0x16: {  	s7 =	sor.u32 s22, s7;
	s11 =	sand.u32 $0x260, s25;
	[dreg:$0xe] =	wrdreg s12  }
0x17: {  	s9 =	sadd.s32 $0x200, s9;
	s17 =	ssub.s32 s13, s15;
	[dreg:$0x16] =	wrdreg s23  }
0x18: {  	s21 =	simm.s32 $0x6080;
	s22 =	simm.s32 $0x6880;
	[dreg:$0x17] =	wrdreg s24  }
0x19: {  	s25 =	simm.s32 $0x8080;
	s13 =	simm.s32 $0x9880;
	s15 =	simm.s32 $0xA880  }
0x1a: {  	s23 =	simm.s32 $0xD900;
	s24 =	simm.s32 $0xE100;
	s10 =	sor.u32 s14, s10  }
0x1b: {  	s7 =	sshrl.u32 s7, $0x3;
	s11 =	sor.u32 s14, s11;
	[dreg:$0x14] =	wrdreg s21  }
0x1c: {  	s9 =	sshrl.u32 s9, $0x3;
	s14 =	simm.s32 $0x3880;
	[dreg:$0x15] =	wrdreg s22  }
0x1d: {  	[dreg:$0x18] =	wrdreg s25;
	s21 =	simm.s32 $0xC900;
	s10 =	sshrl.u32 s10, $0x3  }
0x1e: {  	s26 =	sshrl.u32 s11, $0x3;
	s11 =	simm.s32 $0x2880;
	[dreg:$0xf] =	wrdreg s14  }
0x1f: {  	s7 =	smul.u32 $0x300, s7;
	s10 =	sadd.s32 s5, s10;
	[dreg:$0xd] =	wrdreg s11  }
0x20: {  	s5 =	sadd.s32 s26, s5;
	s26 =	simm.s32 $0x8880;
	[dreg:$0x5] =	wrdreg s10  }
0x21: {  	s9 =	smul.u32 $0x300, s9;
	s7 =	sadd.s32 s6, s7;
	[dreg:$0x19] =	wrdreg s26  }
0x22: {  	s22 =	simm.s32 $0xD100;
	s5 =	sadd.s32 $0x80, s5;
	[dreg:$0x6] =	wrdreg s7  }
0x23: {  	s25 =	simm.s32 $0xE900;
	s3 =	sadd.s32 s6, s9;
	[dreg:$0x7] =	wrdreg s5  }
0x24: {  	s14 =	simm.s32 $0xA080;
	s6 =	simm.s32 $0x880;
	[dreg:$0x8] =	wrdreg s3  }
0x25: {  	s11 =	simm.s32 $0x80;
	s9 =	simm.s32 $0x1880;
	[dreg:$0x9] =	wrdreg s6  }
0x26: {  	s10 =	simm.s32 $0x2080;
	s26 =	simm.s32 $0xF100;
	[dreg:$0xb] =	wrdreg s9  }
0x27: {  	v3 =	vlaneseq.u32;
	s7 =	simm.s32 $0x1080;
	[dreg:$0xc] =	wrdreg s10;
	s5 =	sadd.s32 $0x100, s1  }
0x28: {  	vm0 =	vmmov $0xffff;
	v2 =	vshrl.u32 v3, $0x3;
	s6 =	sadd.s32 $0x200, s1;
	s9 =	smax.u32 s17, $0x1;
	s10 =	simm.s32 $0x2  }
0x29: {  	v1 =	vand.u32 $0x7, v3;
	v3 =	vor.u32 $0x8, v3;
	v2 =	vmul.u32 $0x8, v2;
	s17 =	simm.s32 $0xB880;
	[dreg:$0xa] =	wrdreg s7;
	s7 =	sadd.s32 $0x100, s2  }
.LBB2_1:
0x2a: {  	s3 =	rddreg [dreg:$0x5]  }
0x2b: {  	[tilespmem:s4], [sflag:$0x2] =	stream.linear.gather [hbm4b:s3+s4], $0x40, $0x38;
	[tilespmem:$0x12100] =	vst v63  }
0x2c: {  	_ =	swait.ge [sflag:s10], $0x40  }
0x2d: {  	[sflag:s10] =	ssyncset.done $0x0  }
0x2e: {  	[sflag:s10] =	ssyncadd.s32 $0xFFFFFFC0  }
0x2f: {  	v4 =	vld [tilespmem:$0x0];
	_ =	sdelay $0x4  }
0x30: {  	v5 =	vadd.s32 v0, v4  }
0x31: {  	v6 =	vshrl.u32 v5, $0x3  }
0x32: {  	v6 =	vmul.u32 $0x30, v6  }
0x33: {  	v7 =	vld [tilespmem:$0x10];
	v4 =	vand.u32 $0x7, v4  }
0x34: {  	v8 =	vld [tilespmem:$0x20];
	v4 =	vor.u32 v4, v6  }
0x35: {  	v60 =	vld [tilespmem:$0x30];
	v9 =	vperm.xlane v4, v1;
	_ =	sdelay $0x1  }
0x36: {  	v9 =	vadd.s32 v2, v9  }
0x37: {  	[tilespmem:$0x0] =	vst v5;
	v5 =	vadd.s32 v0, v7  }
0x38: {  	[tilespmem:$0x10] =	vst v5;
	v5 =	vadd.s32 v0, v8  }
0x39: {  	[tilespmem:$0x20] =	vst v5;
	v5 =	vadd.s32 v0, v60  }
0x3a: {  	[tilespmem:$0x30] =	vst v5;
	v4 =	vperm.xlane v4, v3  }
0x3b: {  	[tilespmem:s11], [sflag:$0x1] =	stream.indirect_vreg.gather [hbm4b:s1+s4], $0x80, v9, vm0, $0xb8;
	[tilespmem:$0x12100] =	vst v63  }
0x3c: {  	s3 =	rddreg [dreg:$0x9];
	v4 =	vadd.s32 v2, v4  }
0x3d: {  	[tilespmem:s3], [sflag:$0x1] =	stream.indirect_vreg.gather [hbm4b:s5+s4], $0x80, v9, vm0, $0xb8;
	[tilespmem:$0x12100] =	vst v63  }
0x3e: {  	s12 =	rddreg [dreg:$0xa]  }
0x3f: {  	[tilespmem:s12], [sflag:$0x1] =	stream.indirect_vreg.gather [hbm4b:s6+s4], $0x80, v9, vm0, $0xb8;
	[tilespmem:$0x12100] =	vst v63  }
0x40: {  	s3 =	rddreg [dreg:$0xb]  }
0x41: {  	[tilespmem:s3], [sflag:$0x1] =	stream.indirect_vreg.gather [hbm4b:s1+s4], $0x80, v4, vm0, $0xb8;
	[tilespmem:$0x12100] =	vst v63  }
0x42: {  	s12 =	rddreg [dreg:$0xc]  }
0x43: {  	[tilespmem:s12], [sflag:$0x1] =	stream.indirect_vreg.gather [hbm4b:s5+s4], $0x80, v4, vm0, $0xb8;
	[tilespmem:$0x12100] =	vst v63  }
0x44: {  	s3 =	rddreg [dreg:$0xd]  }
0x45: {  	[tilespmem:s3], [sflag:$0x1] =	stream.indirect_vreg.gather [hbm4b:s6+s4], $0x80, v4, vm0, $0xb8;
	[tilespmem:$0x12100] =	vst v63  }
0x46: {  	v4 =	vld [tilespmem:$0x10];
	_ =	sdelay $0x4  }
0x47: {  	v5 =	vshrl.u32 v4, $0x3  }
0x48: {  	v5 =	vmul.u32 $0x30, v5  }
0x49: {  	v4 =	vand.u32 $0x7, v4  }
0x4a: {  	v4 =	vor.u32 v4, v5  }
0x4b: {  	v5 =	vperm.xlane v4, v1;
	_ =	sdelay $0x1  }
0x4c: {  	v5 =	vadd.s32 v2, v5;
	_ =	sdelay $0x3  }
0x4d: {  	s3 =	rddreg [dreg:$0xe];
	v4 =	vperm.xlane v4, v3  }
0x4e: {  	[tilespmem:s3], [sflag:$0x1] =	stream.indirect_vreg.gather [hbm4b:s1+s4], $0x80, v5, vm0, $0xb8;
	[tilespmem:$0x12100] =	vst v63  }
0x4f: {  	s12 =	rddreg [dreg:$0xf];
	v4 =	vadd.s32 v2, v4  }
0x50: {  	[tilespmem:s12], [sflag:$0x1] =	stream.indirect_vreg.gather [hbm4b:s5+s4], $0x80, v5, vm0, $0xb8;
	[tilespmem:$0x12100] =	vst v63  }
0x51: {  	s3 =	rddreg [dreg:$0x10]  }
0x52: {  	[tilespmem:s3], [sflag:$0x1] =	stream.indirect_vreg.gather [hbm4b:s6+s4], $0x80, v5, vm0, $0xb8;
	[tilespmem:$0x12100] =	vst v63  }
0x53: {  	s12 =	rddreg [dreg:$0x11]  }
0x54: {  	[tilespmem:s12], [sflag:$0x1] =	stream.indirect_vreg.gather [hbm4b:s1+s4], $0x80, v4, vm0, $0xb8;
	[tilespmem:$0x12100] =	vst v63  }
0x55: {  	s3 =	rddreg [dreg:$0x12]  }
0x56: {  	[tilespmem:s3], [sflag:$0x1] =	stream.indirect_vreg.gather [hbm4b:s5+s4], $0x80, v4, vm0, $0xb8;
	[tilespmem:$0x12100] =	vst v63  }
0x57: {  	s12 =	rddreg [dreg:$0x13]  }
0x58: {  	[tilespmem:s12], [sflag:$0x1] =	stream.indirect_vreg.gather [hbm4b:s6+s4], $0x80, v4, vm0, $0xb8;
	[tilespmem:$0x12100] =	vst v63  }
0x59: {  	v4 =	vld [tilespmem:$0x20];
	_ =	sdelay $0x4  }
0x5a: {  	v5 =	vshrl.u32 v4, $0x3  }
0x5b: {  	v5 =	vmul.u32 $0x30, v5  }
0x5c: {  	v4 =	vand.u32 $0x7, v4  }
0x5d: {  	v4 =	vor.u32 v4, v5  }
0x5e: {  	v5 =	vperm.xlane v4, v1;
	_ =	sdelay $0x1  }
0x5f: {  	v5 =	vadd.s32 v2, v5;
	_ =	sdelay $0x3  }
0x60: {  	s3 =	rddreg [dreg:$0x14];
	v4 =	vperm.xlane v4, v3  }
0x61: {  	[tilespmem:s3], [sflag:$0x1] =	stream.indirect_vreg.gather [hbm4b:s1+s4], $0x80, v5, vm0, $0xb8;
	[tilespmem:$0x12100] =	vst v63  }
0x62: {  	s12 =	rddreg [dreg:$0x15];
	v4 =	vadd.s32 v2, v4  }
0x63: {  	[tilespmem:s12], [sflag:$0x1] =	stream.indirect_vreg.gather [hbm4b:s5+s4], $0x80, v5, vm0, $0xb8;
	[tilespmem:$0x12100] =	vst v63  }
0x64: {  	s3 =	rddreg [dreg:$0x16]  }
0x65: {  	[tilespmem:s3], [sflag:$0x1] =	stream.indirect_vreg.gather [hbm4b:s6+s4], $0x80, v5, vm0, $0xb8;
	[tilespmem:$0x12100] =	vst v63  }
0x66: {  	s12 =	rddreg [dreg:$0x17]  }
0x67: {  	[tilespmem:s12], [sflag:$0x1] =	stream.indirect_vreg.gather [hbm4b:s1+s4], $0x80, v4, vm0, $0xb8;
	[tilespmem:$0x12100] =	vst v63  }
0x68: {  	s3 =	rddreg [dreg:$0x18]  }
0x69: {  	[tilespmem:s3], [sflag:$0x1] =	stream.indirect_vreg.gather [hbm4b:s5+s4], $0x80, v4, vm0, $0xb8;
	[tilespmem:$0x12100] =	vst v63  }
0x6a: {  	s12 =	rddreg [dreg:$0x19]  }
0x6b: {  	[tilespmem:s12], [sflag:$0x1] =	stream.indirect_vreg.gather [hbm4b:s6+s4], $0x80, v4, vm0, $0xb8;
	[tilespmem:$0x12100] =	vst v63  }
0x6c: {  	v4 =	vld [tilespmem:$0x30];
	_ =	sdelay $0x4  }
0x6d: {  	v5 =	vshrl.u32 v4, $0x3  }
0x6e: {  	v5 =	vmul.u32 $0x30, v5  }
0x6f: {  	v4 =	vand.u32 $0x7, v4  }
0x70: {  	v4 =	vor.u32 v4, v5  }
0x71: {  	v5 =	vperm.xlane v4, v1;
	_ =	sdelay $0x1  }
0x72: {  	v5 =	vadd.s32 v2, v5;
	_ =	sdelay $0x3  }
0x73: {  	s12 =	simm.s32 $0x9080;
	v4 =	vperm.xlane v4, v3  }
0x74: {  	[tilespmem:s12], [sflag:$0x1] =	stream.indirect_vreg.gather [hbm4b:s1+s4], $0x80, v5, vm0, $0xb8;
	[tilespmem:$0x12100] =	vst v63  }
0x75: {  	v4 =	vadd.s32 v2, v4  }
0x76: {  	[tilespmem:s13], [sflag:$0x1] =	stream.indirect_vreg.gather [hbm4b:s5+s4], $0x80, v5, vm0, $0xb8;
	[tilespmem:$0x12100] =	vst v63  }
0x77: {  	_ = 	snop  }
0x78: {  	[tilespmem:s14], [sflag:$0x1] =	stream.indirect_vreg.gather [hbm4b:s6+s4], $0x80, v5, vm0, $0xb8;
	[tilespmem:$0x12100] =	vst v63  }
0x79: {  	_ = 	snop  }
0x7a: {  	[tilespmem:s15], [sflag:$0x1] =	stream.indirect_vreg.gather [hbm4b:s1+s4], $0x80, v4, vm0, $0xb8;
	[tilespmem:$0x12100] =	vst v63  }
0x7b: {  	_ = 	snop  }
0x7c: {  	[tilespmem:s16], [sflag:$0x1] =	stream.indirect_vreg.gather [hbm4b:s5+s4], $0x80, v4, vm0, $0xb8;
	[tilespmem:$0x12100] =	vst v63  }
0x7d: {  	_ = 	snop  }
0x7e: {  	[tilespmem:s17], [sflag:$0x1] =	stream.indirect_vreg.gather [hbm4b:s6+s4], $0x80, v4, vm0, $0xb8;
	[tilespmem:$0x12100] =	vst v63  }
0x7f: {  	_ =	swait.ge [sflag:s18], $0xC000  }
0x80: {  	[sflag:s18] =	ssyncset.done $0x0  }
0x81: {  	s12 =	rddreg [dreg:$0x6];
	[sflag:s18] =	ssyncadd.s32 $0xFFFF4000  }
0x82: {  	[hbm4b:s12+s4] =	stream.linear.scatter [tilespmem:s11], [sflag:$0x2], $0xC000, $0x38;
	[tilespmem:$0x12100] =	vst v63  }
0x83: {  	_ =	swait.ge [sflag:s10], $0xC000  }
0x84: {  	[sflag:s10] =	ssyncset.done $0x0  }
0x85: {  	s12 =	rddreg [dreg:$0x7];
	[sflag:s10] =	ssyncadd.s32 $0xFFFF4000  }
0x86: {  	[tilespmem:s19], [sflag:$0x2] =	stream.linear.gather [hbm4b:s12+s4], $0x20, $0x38;
	[tilespmem:$0x12100] =	vst v63  }
0x87: {  	_ =	swait.ge [sflag:s10], $0x20  }
0x88: {  	[sflag:s10] =	ssyncset.done $0x0  }
0x89: {  	[sflag:s10] =	ssyncadd.s32 $0xFFFFFFE0  }
0x8a: {  	v4 =	vld [tilespmem:$0xC080];
	_ =	sdelay $0x4  }
0x8b: {  	v5 =	vadd.s32 v0, v4  }
0x8c: {  	v61 =	vshrl.u32 v5, $0x3  }
0x8d: {  	v6 =	vmul.u32 $0x30, v61  }
0x8e: {  	v4 =	vand.u32 $0x7, v4  }
0x8f: {  	v4 =	vor.u32 v4, v6  }
0x90: {  	v62 =	vld [tilespmem:$0xC090];
	v63 =	vperm.xlane v4, v1;
	_ =	sdelay $0x1  }
0x91: {  	v7 =	vadd.s32 v2, v63;
	_ =	sdelay $0x2  }
0x92: {  	[tilespmem:$0xC080] =	vst v5;
	v5 =	vadd.s32 v0, v62  }
0x93: {  	[tilespmem:$0xC090] =	vst v5;
	v4 =	vperm.xlane v4, v3  }
0x94: {  	[tilespmem:s20], [sflag:$0x1] =	stream.indirect_vreg.gather [hbm4b:s2+s4], $0x80, v7, vm0, $0xb8;
	[tilespmem:$0x12100] =	vst v63  }
0x95: {  	v4 =	vadd.s32 v2, v4  }
0x96: {  	[tilespmem:s21], [sflag:$0x1] =	stream.indirect_vreg.gather [hbm4b:s7+s4], $0x80, v7, vm0, $0xb8;
	[tilespmem:$0x12100] =	vst v63  }
0x97: {  	_ = 	snop  }
0x98: {  	[tilespmem:s22], [sflag:$0x1] =	stream.indirect_vreg.gather [hbm4b:s8+s4], $0x80, v7, vm0, $0xb8;
	[tilespmem:$0x12100] =	vst v63  }
0x99: {  	_ = 	snop  }
0x9a: {  	[tilespmem:s23], [sflag:$0x1] =	stream.indirect_vreg.gather [hbm4b:s2+s4], $0x80, v4, vm0, $0xb8;
	[tilespmem:$0x12100] =	vst v63  }
0x9b: {  	_ = 	snop  }
0x9c: {  	[tilespmem:s24], [sflag:$0x1] =	stream.indirect_vreg.gather [hbm4b:s7+s4], $0x80, v4, vm0, $0xb8;
	[tilespmem:$0x12100] =	vst v63  }
0x9d: {  	_ = 	snop  }
0x9e: {  	[tilespmem:s25], [sflag:$0x1] =	stream.indirect_vreg.gather [hbm4b:s8+s4], $0x80, v4, vm0, $0xb8;
	[tilespmem:$0x12100] =	vst v63  }
0x9f: {  	v4 =	vld [tilespmem:$0xC090];
	_ =	sdelay $0x4  }
0xa0: {  	v5 =	vshrl.u32 v4, $0x3  }
0xa1: {  	v5 =	vmul.u32 $0x30, v5  }
0xa2: {  	v4 =	vand.u32 $0x7, v4  }
0xa3: {  	v4 =	vor.u32 v4, v5  }
0xa4: {  	v5 =	vperm.xlane v4, v1;
	_ =	sdelay $0x1  }
0xa5: {  	v5 =	vadd.s32 v2, v5;
	_ =	sdelay $0x3  }
0xa6: {  	v4 =	vperm.xlane v4, v3  }
0xa7: {  	[tilespmem:s26], [sflag:$0x1] =	stream.indirect_vreg.gather [hbm4b:s2+s4], $0x80, v5, vm0, $0xb8;
	[tilespmem:$0x12100] =	vst v63  }
0xa8: {  	v4 =	vadd.s32 v2, v4  }
0xa9: {  	[tilespmem:s28], [sflag:$0x1] =	stream.indirect_vreg.gather [hbm4b:s7+s4], $0x80, v5, vm0, $0xb8;
	[tilespmem:$0x12100] =	vst v63  }
0xaa: {  	_ = 	snop  }
0xab: {  	[tilespmem:s29], [sflag:$0x1] =	stream.indirect_vreg.gather [hbm4b:s8+s4], $0x80, v5, vm0, $0xb8;
	[tilespmem:$0x12100] =	vst v63  }
0xac: {  	_ = 	snop  }
0xad: {  	[tilespmem:s30], [sflag:$0x1] =	stream.indirect_vreg.gather [hbm4b:s2+s4], $0x80, v4, vm0, $0xb8;
	[tilespmem:$0x12100] =	vst v63  }
0xae: {  	_ = 	snop  }
0xaf: {  	[tilespmem:s31], [sflag:$0x1] =	stream.indirect_vreg.gather [hbm4b:s7+s4], $0x80, v4, vm0, $0xb8;
	[tilespmem:$0x12100] =	vst v63  }
0xb0: {  	_ = 	snop  }
0xb1: {  	[tilespmem:s0], [sflag:$0x1] =	stream.indirect_vreg.gather [hbm4b:s8+s4], $0x80, v4, vm0, $0xb8;
	[tilespmem:$0x12100] =	vst v63  }
0xb2: {  	_ =	swait.ge [sflag:s18], $0x6000  }
0xb3: {  	p0 =	sne.s32 s9, $0x1;
	[sflag:s18] =	ssyncset.done $0x0  }
.Ltmp0:
0xb4: {  	s12 =	rddreg [dreg:$0x8];
	[sflag:s18] =	ssyncadd.s32 $0xFFFFA000;
	(pc) =	sbr.rel @p0 .LBB2_1-.Ltmp0, $4  }
0xb5: {  	[hbm4b:s12+s4] =	stream.linear.scatter [tilespmem:s20], [sflag:$0x2], $0x6000, $0x38;
	[tilespmem:$0x12100] =	vst v63  }
0xb6: {  	_ =	swait.ge [sflag:s10], $0x6000  }
0xb7: {  	[sflag:s10] =	ssyncset.done $0x0  }
0xb8: {  	s9 =	sadd.s32 $0xFFFFFFFF, s9;
	[sflag:s10] =	ssyncadd.s32 $0xFFFFA000  }
0xb9: {  	_ =	sfence.sel $0x180000  }
0xba: {  	[bflag:$0x0] =	sbarrier.arrive $0xFFFF  }
0xbb: {  	_ =	strace $0x90000047  }
0xbc: {  	s0 =	stileid.u32;
	[bflag:$0x2] =	sbarrier.arrive $0xFFFF  }
0xbd: {  	p0 =	sne.s32 s0, $0x0;
	s0 =	rddreg [dreg:$0x4]  }
0xbe: {  	s0 =	sadd.s32 @!p0 $0x100000, s0  }
0xbf: {  	[sflag:s0] =	ssyncadd.tile.s32 @!p0 $0x1;
	_ =	shalt  }
.Lfunc_end2:
_tile_overlayer_lowered:
.L_overlay_start_2:
0xc0: {  	(tag) =	ssettag $0x2  }
0xc1: {  	s0 =	rddreg [dreg:$0x0];
	s2 =	stileid.u32  }
0xc2: {  	s1 =	rddreg [dreg:$0x1];
	p0 =	sne.s32 s2, $0x0  }
0xc3: {  	s3 =	rddreg [dreg:$0x2];
	[bflag:$0x3] =	sbarrier.arrive $0xFFFF;
	s2 =	simm.s32 @!p0 $0x1C02  }
0xc4: {  	[timem:s3], [sflag:s2] =	dma.local @!p0 [hbm:s0], s1  }
0xc5: {  	s0 =	simm.s32 @!p0 $0x2  }
0xc6: {  	_ =	swait.ge @!p0 [sflag:s0], s1  }
0xc7: {  	s1 =	ssub.s32 @!p0 $0x0, s1;
	[sflag:s0] =	ssyncset.done @!p0 $0x0  }
0xc8: {  	[sflag:s0] =	ssyncadd.s32 @!p0 s1  }
0xc9: {  	[bflag:$0x3] =	sbarrier.arrive $0xFFFF  }
0xca: {  	_ =	shalt  }

// kernel: kernel.9.cloned.1.call-start
scs
__scs_entry_jumppad:
0x0: {  	(pc) =	sbr.rel $0x88, $3  }
0x1: {  	(tag) =	ssettag $0x0;
	lr =	simm.s32 $0x1  }
0x2: {  	[smem:$0x3F94] =	sst lr;
	_ =	strace $0xD0000000  }
0x3: {  	_ = 	snop  }
0x4: {  	_ = 	snop  }
0x5: {  	_ = 	snop  }
0x6: {  	_ = 	snop  }
0x7: {  	_ = 	snop  }
__scs_overlays_trampoline_lowered:
0x8: {  	[smem:$0x3FA3] =	sst s0  }
0x9: {  	[smem:$0x3FA4] =	sst s1  }
0xa: {  	[smem:$0x3FA5] =	sst s2  }
0xb: {  	[smem:$0x3FA6] =	sst s3  }
0xc: {  	[smem:$0x3FA7] =	sst s4  }
0xd: {  	[smem:$0x3FA8] =	sst s5  }
0xe: {  	[smem:$0x3FA9] =	sst s6  }
0xf: {  	[smem:$0x3FAA] =	sst s7  }
0x10: {  	[smem:$0x3FAB] =	sst s8  }
0x11: {  	[smem:$0x3FAC] =	sst s9;
	s0 =	simm.s32 @!p0 $0x0  }
0x12: {  	s1 =	sld [smem:$0x3F92];
	s0 =	simm.s32 @p0 $0x1  }
0x13: {  	[smem:$0x3FAD] =	sst s0;
	s0 =	simm.s32 @!p1 $0x0  }
0x14: {  	s2 =	sld [smem:$0x3F91];
	s0 =	simm.s32 @p1 $0x1  }
0x15: {  	[smem:$0x3FAE] =	sst s0;
	s0 =	simm.s32 @!p2 $0x0  }
0x16: {  	s3 =	sld [smem:$0x3FDB];
	s0 =	simm.s32 @p2 $0x1  }
0x17: {  	s4 =	simm.s32 $0x1BF5;
	[smem:$0x3FB0] =	sst s0  }
0x18: {  	s0 =	sld [smem:$0x3F93];
	_ =	swait.ge [sflag:s4], $0x0  }
0x19: {  	s7 =	sld [smem:$0x3F94]  }
0x1a: {  	s8 =	sadd.s32 $0xFFFFE003, lr  }
0x1b: {  	s9 =	sadd.s32 $0xFFFFFEF7, lr;
	s5 =	simm.s32 $0xFFFFFFFF;
	p2 =	slt.u32 s8, $0xFFFFF086  }
0x1c: {  	p1 =	slt.u32 s9, $0xF7A;
	s5 =	simm.s32 @!p2 $0x0  }
0x1d: {  	s5 =	simm.s32 @p1 $0x1;
	p0 =	seq.s32 s7, s2  }
0x1e: {  	s7 =	smul.u32 @!p0 $0xF7A, s2;
	p2 =	seq.s32 @!p0 s5, $0x0  }
0x1f: {  	s9 =	smul.u32 $0xF7A, s1;
	s8 =	simm.s32 @!p0 $0x1BF5;
	p2 =	por !p2, p0  }
0x20: {  	[sflag:s8] =	ssyncset.s32 @!p0 $0xFFFFF086;
	s6 =	sadd.s32 @!p0 s3, s7;
	s7 =	simm.s32 @!p0 $0x108  }
0x21: {  	s3 =	sadd.s32 s3, s9;
	s6 =	sadd.s32 @!p0 $0x88, s6;
	s7 =	simm.s32 @p2 $0x1082  }
0x22: {  	[simem:s7], [sflag:s8] =	dma.local @!p0 [hbm:s6], $0xF7A  }
0x23: {  	s9 =	sor.u32 $0xD0000000, s2;
	s6 =	simm.s32 $0x108;
	_ =	swait.ge @!p0 [sflag:s8], $0x0  }
0x24: {  	s3 =	sadd.s32 $0x88, s3;
	s6 =	simm.s32 @!p1 $0x1082;
	[sflag:s4] =	ssyncset.s32 $0xFFFFF086  }
0x25: {  	[simem:s6], [sflag:s4] =	dma.local [hbm:s3], $0xF7A  }
0x26: {  	[smem:$0x3F94] =	sst s1;
	(tag) =	ssettag s2;
	_ =	strace s9  }
0x27: {  	s1 =	sld [smem:$0x3FA4]  }
0x28: {  	s2 =	sld [smem:$0x3FA5]  }
0x29: {  	s4 =	sld [smem:$0x3FA7]  }
0x2a: {  	p0 =	seq.s32 s5, $0x0;
	s5 =	sld [smem:$0x3FA8]  }
0x2b: {  	s6 =	sld [smem:$0x3FA9]  }
0x2c: {  	s7 =	sld [smem:$0x3FAA]  }
0x2d: {  	s3 =	simm.s32 $0x108;
	s8 =	sld [smem:$0x3FAB]  }
0x2e: {  	s3 =	simm.s32 @!p0 $0x1082;
	s9 =	sld [smem:$0x3FAC]  }
0x2f: {  	lr =	sadd.s32 s0, s3;
	s0 =	sld [smem:$0x3FA3]  }
0x30: {  	s3 =	sld [smem:$0x3FA6]  }
0x31: {  	[smem:$0x3FAF] =	sst s10  }
0x32: {  	s10 =	sld [smem:$0x3FAD];
	_ =	sdelay $0x3  }
0x33: {  	p0 =	seq.s32 s10, $0x1;
	s10 =	sld [smem:$0x3FAF];
	_ =	sdelay $0x3  }
0x34: {  	[smem:$0x3FAF] =	sst s10  }
0x35: {  	s10 =	sld [smem:$0x3FAE];
	_ =	sdelay $0x3  }
0x36: {  	p1 =	seq.s32 s10, $0x1;
	s10 =	sld [smem:$0x3FAF];
	_ =	sdelay $0x3  }
0x37: {  	[smem:$0x3FAF] =	sst s10  }
0x38: {  	s10 =	sld [smem:$0x3FB0]  }
0x39: {  	_ = 	snop;
	(pc) =	sbr.ind lr, $3  }
0x3a: {  	_ = 	snop  }
0x3b: {  	_ = 	snop  }
0x3c: {  	p2 =	seq.s32 s10, $0x1;
	s10 =	sld [smem:$0x3FAF]  }
0x3d: {  	_ =	shalt  }
0x3e: {  	_ =	shalt  }
0x3f: {  	_ =	shalt  }
0x40: {  	_ =	shalt  }
0x41: {  	_ =	shalt  }
0x42: {  	_ =	shalt  }
0x43: {  	_ =	shalt  }
0x44: {  	_ =	shalt  }
0x45: {  	_ =	shalt  }
0x46: {  	_ =	shalt  }
0x47: {  	_ =	shalt  }
0x48: {  	_ =	shalt  }
0x49: {  	_ =	shalt  }
0x4a: {  	_ =	shalt  }
0x4b: {  	_ =	shalt  }
0x4c: {  	_ =	shalt  }
0x4d: {  	_ =	shalt  }
0x4e: {  	_ =	shalt  }
0x4f: {  	_ =	shalt  }
0x50: {  	_ =	shalt  }
0x51: {  	_ =	shalt  }
0x52: {  	_ =	shalt  }
0x53: {  	_ =	shalt  }
0x54: {  	_ =	shalt  }
0x55: {  	_ =	shalt  }
0x56: {  	_ =	shalt  }
0x57: {  	_ =	shalt  }
0x58: {  	_ =	shalt  }
0x59: {  	_ =	shalt  }
0x5a: {  	_ =	shalt  }
0x5b: {  	_ =	shalt  }
0x5c: {  	_ =	shalt  }
0x5d: {  	_ =	shalt  }
0x5e: {  	_ =	shalt  }
0x5f: {  	_ =	shalt  }
0x60: {  	_ =	shalt  }
0x61: {  	_ =	shalt  }
0x62: {  	_ =	shalt  }
0x63: {  	_ =	shalt  }
0x64: {  	_ =	shalt  }
0x65: {  	_ =	shalt  }
0x66: {  	_ =	shalt  }
0x67: {  	_ =	shalt  }
0x68: {  	_ =	shalt  }
0x69: {  	_ =	shalt  }
0x6a: {  	_ =	shalt  }
0x6b: {  	_ =	shalt  }
0x6c: {  	_ =	shalt  }
0x6d: {  	_ =	shalt  }
0x6e: {  	_ =	shalt  }
0x6f: {  	_ =	shalt  }
0x70: {  	_ =	shalt  }
0x71: {  	_ =	shalt  }
0x72: {  	_ =	shalt  }
0x73: {  	_ =	shalt  }
0x74: {  	_ =	shalt  }
0x75: {  	_ =	shalt  }
0x76: {  	_ =	shalt  }
0x77: {  	_ =	shalt  }
0x78: {  	_ =	shalt  }
0x79: {  	_ =	shalt  }
0x7a: {  	_ =	shalt  }
0x7b: {  	_ =	shalt  }
0x7c: {  	_ =	shalt  }
0x7d: {  	_ =	shalt  }
0x7e: {  	_ =	shalt  }
0x7f: {  	_ =	shalt  }
0x80: {  	_ =	shalt  }
0x81: {  	_ =	shalt  }
0x82: {  	_ =	shalt  }
0x83: {  	_ =	shalt  }
0x84: {  	_ =	shalt  }
0x85: {  	_ =	shalt  }
0x86: {  	_ =	shalt  }
0x87: {  	_ =	shalt  }
.Lfunc_end0:
.L_simem_size_0:
called_computation.1_lowered:
.L_overlay_start_0:
0x88: {  	s2 =	sld [smem:$0x3FD9]  }
0x89: {  	s3 =	sld [smem:$0x3FFE];
	_ =	sdelay $0x1  }
0x8a: {  	s1 =	srdreg.scid  }
0x8b: {  	s0 =	sand.u32 $0x1, s1  }
0x8c: {  	s15 =	sshll.u32 s0, $0xA;
	s2 =	sadd.s32 s3, s2  }
0x8d: {  	s2 =	sadd.s32 s2, s15  }
0x8e: {  	[smem:$0x3FBB] =	sst s2  }
0x8f: {  	_ = 	snop  }
0x90: {  	s16 =	sld [smem:$0x3FD0];
	_ =	sdelay $0x1  }
0x91: {  	s2 =	sld [smem:$0x3FC7]  }
0x92: {  	s5 =	simm.s32 $0xB;
	s6 =	simm.s32 $0x10;
	s4 =	sld [smem:$0x3FC6]  }
0x93: {  	[smem:s6], [sflag:s5] =	dma.local [hbm:s16], $0x1  }
0x94: {  	_ =	swait.eq [sflag:s5], $0x1  }
0x95: {  	[sflag:s5] =	ssyncset.done $0x0  }
0x96: {  	[sflag:s5] =	ssyncadd.s32 $0xFFFFFFFF  }
0x97: {  	s17 =	sld [smem:$0x11];
	(tm) =	ssettm $0x1  }
0x98: {  	s18 =	sld [smem:$0x3FFB];
	_ =	sdelay $0x3  }
0x99: {  	_ =	strace s18  }
0x9a: {  	s3 =	sld [smem:$0x3FFC];
	_ =	sdelay $0x3  }
0x9b: {  	_ =	strace s3  }
0x9c: {  	s3 =	sld [smem:$0x3FFD];
	_ =	sdelay $0x3  }
0x9d: {  	_ =	strace s3  }
0x9e: {  	_ =	strace $0x8FFFFFFF  }
0x9f: {  	s19 =	sld [smem:$0x3FDB];
	_ =	sdelay $0x1  }
0xa0: {  	s20 =	simm.s32 $_scs_section_size  }
0xa1: {  	s7 =	simm.s32 $_size__tile_overlayer_lowered;
	s8 =	simm.s32 $_tile_overlayer_lowered  }
0xa2: {  	s9 =	simm.s32 $0x1BFF;
	s21 =	sshll.u32 s8, $0x1;
	s6 =	sadd.s32 s20, s19  }
0xa3: {  	s22 =	simm.s32 $0x0;
	s7 =	sshll.u32 s7, $0x1;
	s8 =	sadd.s32 s21, s6  }
0xa4: {  	[timem:s22], [sflag:s9] =	dma.local [hbm:s8], s7  }
0xa5: {  	_ =	swait.ge [sflag:s9], s7  }
0xa6: {  	s7 =	ssub.s32 $0x0, s7;
	[sflag:s9] =	ssyncset.done $0x0  }
0xa7: {  	[sflag:s9] =	ssyncadd.s32 s7;
	_ =	sdelay $0x1  }
0xa8: {  	s23 =	simm.s32 $0x1B8B  }
0xa9: {  	_ =	swait.ge [sflag:s23], $0x1  }
0xaa: {  	[sflag:s23] =	ssyncset.done $0x0  }
0xab: {  	[sflag:s23] =	ssyncadd.s32 $0xFFFFFFFF  }
0xac: {  	s7 =	sld [smem:$0x0]  }
0xad: {  	s8 =	sand.u32 $0xFFFFFFFE, s1  }
0xae: {  	p0 =	sne.s32 s1, s8  }
0xaf: {  	s8 =	sshll.u32 @p0 s8, $0xE  }
0xb0: {  	s8 =	sadd.s32 @p0 $0x11B8D, s8;
	s9 =	sshll.u32 @p0 s7, $0x11  }
0xb1: {  	s8 =	sor.u32 @p0 s9, s8  }
0xb2: {  	[sflag:s8] =	ssyncadd.remote.s32 @p0 $0x1;
	_ =	sdelay $0x1  }
0xb3: {  	s8 =	simm.s32 @p0 $0x1B8D  }
0xb4: {  	_ =	swait.eq @p0 [sflag:s8], $0x1  }
0xb5: {  	[sflag:s8] =	ssyncadd.s32 @p0 $0xFFFFFFFF  }
0xb6: {  	s9 =	sshll.u32 @!p0 s1, $0xE  }
0xb7: {  	s9 =	sor.u32 @!p0 $0x4000, s9;
	s8 =	simm.s32 @!p0 $0x1B8D  }
0xb8: {  	s7 =	sshll.u32 @!p0 s7, $0x11;
	s9 =	sadd.s32 @!p0 $0x11B8D, s9;
	_ =	swait.eq @!p0 [sflag:s8], $0x1  }
0xb9: {  	s7 =	sor.u32 @!p0 s7, s9;
	[sflag:s8] =	ssyncadd.s32 @!p0 $0xFFFFFFFF  }
0xba: {  	s25 =	simm.s32 $0x1B8E;
	s24 =	sld [smem:$0x3FFE];
	[sflag:s7] =	ssyncadd.remote.s32 @!p0 $0x1  }
0xbb: {  	s26 =	simm.s32 $execute0_lowered;
	[smem:$0x3FD2] =	sst s25  }
0xbc: {  	s8 =	sshll.u32 s26, $0x1;
	_ =	strace $0x80000049;
	[dreg:$0x1] =	wrdreg $0xFFFFFFFF  }
0xbd: {  	s28 =	simm.s32 $_size_execute0_lowered;
	s6 =	sadd.s32 s6, s8;
	[dreg:$0x0] =	wrdreg $0x0  }
0xbe: {  	s8 =	sshll.u32 s28, $0x1;
	[dreg:$0x2] =	wrdreg s6  }
0xbf: {  	[dreg:$0x3] =	wrdreg s8  }
0xc0: {  	[dreg:$0x4] =	wrdreg $0xC0  }
0xc1: {  	_ =	task [dreg:s22], $0x5FFFF  }
0xc2: {  	[dreg:$0x1] =	wrdreg $0xFFFFFFFF  }
0xc3: {  	[dreg:$0x0] =	wrdreg $0x60  }
0xc4: {  	[dreg:$0x2] =	wrdreg s4  }
0xc5: {  	[dreg:$0x3] =	wrdreg s2  }
0xc6: {  	[dreg:$0x4] =	wrdreg s17  }
0xc7: {  	[dreg:$0x5] =	wrdreg s24  }
0xc8: {  	[dreg:$0x6] =	wrdreg $0xA  }
0xc9: {  	_ =	task.clear_ibuf [dreg:s22], $0x7FFFF;
	_ =	strace $0x90000049  }
0xca: {  	s29 =	simm.s32 $0xA;
	_ =	strace $0x8000004B  }
0xcb: {  	_ =	swait.ge [sflag:s29], $0x1  }
0xcc: {  	[sflag:s29] =	ssyncadd.s32 $0xFFFFFFFF  }
0xcd: {  	_ =	strace $0x9000004B  }
0xce: {  	_ =	sfence  }
0xcf: {  	s30 =	sld [smem:$0x0];
	_ =	sdelay $0x2  }
0xd0: {  	s31 =	sshll.u32 s1, $0xD;
	s1 =	sshrl.u32 s1, $0x2  }
0xd1: {  	s4 =	sand.u32 $0x4000, s31;
	s1 =	sadd.s32 s1, s30  }
0xd2: {  	s0 =	sor.u32 s4, s0;
	s1 =	sshll.u32 s1, $0x11  }
0xd3: {  	s0 =	sor.u32 s1, s0  }
0xd4: {  	s0 =	sadd.s32 $0x8F2B, s0  }
0xd5: {  	[sflag:s0] =	ssyncadd.remote.s32 $0x1  }
0xd6: {  	_ =	sfence.sel $0xFFFF  }
0xd7: {  	[dreg:$0x0] =	wrdreg $0xFFFFFFFF;
	(pc) =	sbr.abs _section_cstart, $3  }
0xd8: {  	[dreg:$0x1] =	wrdreg $0xFFFFFFFF  }
0xd9: {  	_ =	task.clear_ibuf [dreg:s22], $0x2FFFF;
	_ =	strace $0x9FFFFFFF  }
0xda: {  	(tm) =	ssettm $0x7FFFFFFF  }
0xdb: {  	_ =	shalt  }
tec
execute0_lowered:
.L_overlay_start_1:
0x0: {  	(tag) =	ssettag $0x1  }
0x1: {  	s1 =	rddreg [dreg:$0x0]  }
0x2: {  	s3 =	rddreg [dreg:$0x1]  }
0x3: {  	s0 =	rddreg [dreg:$0x2]  }
0x4: {  	s5 =	rddreg [dreg:$0x3]  }
0x5: {  	s2 =	stileid.u32;
	s4 =	simm.s32 $0x0;
	s6 =	srdreg.scid  }
0x6: {  	s15 =	simm.s32 $0x4080;
	s17 =	simm.s32 $0x4880;
	s18 =	simm.s32 $0x5080  }
0x7: {  	s19 =	simm.s32 $0x5880;
	s20 =	simm.s32 $0x6080;
	s28 =	simm.s32 $0xF900  }
0x8: {  	s29 =	simm.s32 $0x10100;
	s30 =	simm.s32 $0x10900;
	s31 =	simm.s32 $0x11100  }
0x9: {  	s7 =	sshll.u32 s2, $0x1;
	[smem:$0x7FF] =	sst s4;
	s6 =	sand.u32 $0x1, s6  }
0xa: {  	s9 =	sshll.u32 s2, $0x9;
	_ =	strace $0x8000004A;
	[dreg:$0x10] =	wrdreg s15  }
0xb: {  	s12 =	sshrl.u32 s2, $0x2;
	s5 =	sadd.s32 $0x4A200, s5;
	[dreg:$0x11] =	wrdreg s17  }
0xc: {  	s24 =	sshll.u32 s2, $0x8;
	s7 =	sand.u32 $0x6, s7;
	[dreg:$0x12] =	wrdreg s18  }
0xd: {  	s9 =	sand.u32 $0x200, s9;
	s22 =	smul.u32 $0x3, s12;
	[dreg:$0x13] =	wrdreg s19  }
0xe: {  	s13 =	sshll.u32 s12, $0x7;
	s14 =	smul.u32 $0x300, s12;
	[dreg:$0x14] =	wrdreg s20  }
0xf: {  	s15 =	simm.s32 $0xA880;
	s17 =	simm.s32 $0xB880;
	s18 =	simm.s32 $0x1  }
0x10: {  	s19 =	simm.s32 $0xC080;
	s8 =	sor.u32 s6, s7;
	s7 =	sshrl.u32 s7, $0x2  }
0x11: {  	s20 =	simm.s32 $0xC100;
	s10 =	sshll.u32 s7, $0xA;
	s11 =	sshll.u32 s8, $0x6  }
0x12: {  	s7 =	sadd.s32 s22, s7;
	s8 =	sshll.u32 s8, $0x5;
	s22 =	simm.s32 $0x7080  }
0x13: {  	s9 =	sor.u32 s9, s10;
	s21 =	sand.u32 $0x40, s11;
	s7 =	sshll.u32 s7, $0x8  }
0x14: {  	s23 =	sand.u32 $0xC0, s11;
	s25 =	sor.u32 s8, s24;
	s8 =	sor.u32 s8, s14  }
0x15: {  	s11 =	simm.s32 $0x3080;
	s14 =	simm.s32 $0x3880;
	[dreg:$0x16] =	wrdreg s22  }
0x16: {  	s24 =	simm.s32 $0x8080;
	s22 =	simm.s32 $0xD100;
	s9 =	sor.u32 s21, s9  }
0x17: {  	s7 =	sor.u32 s23, s7;
	s10 =	sand.u32 $0x260, s25;
	[dreg:$0xe] =	wrdreg s11  }
0x18: {  	s8 =	sadd.s32 $0x200, s8;
	[dreg:$0xf] =	wrdreg s14;
	s21 =	simm.s32 $0x6880  }
0x19: {  	s23 =	simm.s32 $0x7880;
	s11 =	simm.s32 $0x80;
	[dreg:$0x18] =	wrdreg s24  }
0x1a: {  	s25 =	simm.s32 $0x8880;
	s14 =	simm.s32 $0xA080;
	s24 =	simm.s32 $0xE100  }
0x1b: {  	s9 =	sor.u32 s13, s9;
	s7 =	sshrl.u32 s7, $0x3;
	[dreg:$0x15] =	wrdreg s21  }
0x1c: {  	s10 =	sor.u32 s13, s10;
	s8 =	sshrl.u32 s8, $0x3;
	[dreg:$0x17] =	wrdreg s23  }
0x1d: {  	s13 =	ssub.s32 $0x2, s6;
	[dreg:$0x19] =	wrdreg s25;
	s21 =	simm.s32 $0xC900  }
0x1e: {  	s23 =	simm.s32 $0xD900;
	s25 =	simm.s32 $0xE900;
	s7 =	smul.u32 $0x300, s7  }
0x1f: {  	s9 =	sshrl.u32 s9, $0x3;
	s26 =	sshrl.u32 s10, $0x3;
	s8 =	smul.u32 $0x300, s8  }
0x20: {  	s10 =	simm.s32 $0x2880;
	s6 =	sshrl.u32 s13, $0x1;
	s9 =	sor.u32 $0x100, s9  }
0x21: {  	[dreg:$0xd] =	wrdreg s10;
	s16 =	ssub.s32 s13, s6;
	s9 =	sadd.s32 s0, s9  }
0x22: {  	s6 =	sadd.s32 $0x200, s1;
	s7 =	sadd.s32 s5, s7;
	[dreg:$0x5] =	wrdreg s9  }
0x23: {  	s10 =	simm.s32 $0x2;
	s2 =	sadd.s32 s5, s8;
	[dreg:$0x6] =	wrdreg s7  }
0x24: {  	s13 =	simm.s32 $0x9880;
	s5 =	simm.s32 $0x880;
	[dreg:$0x8] =	wrdreg s2  }
0x25: {  	s0 =	sadd.s32 s26, s0;
	s8 =	simm.s32 $0x1880;
	[dreg:$0x9] =	wrdreg s5  }
0x26: {  	s26 =	sshll.u32 s12, $0xB;
	s0 =	sadd.s32 $0x100, s0;
	[dreg:$0xb] =	wrdreg s8  }
0x27: {  	s7 =	simm.s32 $0x1080;
	s9 =	simm.s32 $0x2080;
	[dreg:$0x7] =	wrdreg s0  }
0x28: {  	v3 =	vlaneseq.u32;
	s5 =	sadd.s32 $0x100, s1;
	s8 =	sadd.s32 $0x200, s3;
	[dreg:$0xa] =	wrdreg s7  }
0x29: {  	vm0 =	vmmov $0xffff;
	v2 =	vshrl.u32 v3, $0x3;
	v0 =	vmov s26;
	s26 =	simm.s32 $0xF100;
	[dreg:$0xc] =	wrdreg s9;
	s7 =	sadd.s32 $0x100, s3  }
0x2a: {  	v1 =	vand.u32 $0x7, v3;
	v3 =	vor.u32 $0x8, v3;
	v2 =	vmul.u32 $0x8, v2;
	s9 =	smax.u32 s16, $0x1;
	s16 =	simm.s32 $0xB080;
	s0 =	simm.s32 $0x11900  }
.LBB2_1:
0x2b: {  	s2 =	rddreg [dreg:$0x5]  }
0x2c: {  	[tilespmem:s4], [sflag:$0x2] =	stream.linear.gather [hbm4b:s2+s4], $0x40, $0x38;
	[tilespmem:$0x12100] =	vst v63  }
0x2d: {  	_ =	swait.ge [sflag:s10], $0x40  }
0x2e: {  	[sflag:s10] =	ssyncset.done $0x0  }
0x2f: {  	[sflag:s10] =	ssyncadd.s32 $0xFFFFFFC0  }
0x30: {  	v4 =	vld [tilespmem:$0x0];
	_ =	sdelay $0x4  }
0x31: {  	v5 =	vadd.s32 v0, v4  }
0x32: {  	v6 =	vshrl.u32 v5, $0x3  }
0x33: {  	v6 =	vmul.u32 $0x30, v6  }
0x34: {  	v7 =	vld [tilespmem:$0x10];
	v4 =	vand.u32 $0x7, v4  }
0x35: {  	v8 =	vld [tilespmem:$0x20];
	v4 =	vor.u32 v4, v6  }
0x36: {  	v60 =	vld [tilespmem:$0x30];
	v9 =	vperm.xlane v4, v1;
	_ =	sdelay $0x1  }
0x37: {  	v9 =	vadd.s32 v2, v9  }
0x38: {  	[tilespmem:$0x0] =	vst v5;
	v5 =	vadd.s32 v0, v7  }
0x39: {  	[tilespmem:$0x10] =	vst v5;
	v5 =	vadd.s32 v0, v8  }
0x3a: {  	[tilespmem:$0x20] =	vst v5;
	v5 =	vadd.s32 v0, v60  }
0x3b: {  	[tilespmem:$0x30] =	vst v5;
	v4 =	vperm.xlane v4, v3  }
0x3c: {  	[tilespmem:s11], [sflag:$0x1] =	stream.indirect_vreg.gather [hbm4b:s1+s4], $0x80, v9, vm0, $0xb8;
	[tilespmem:$0x12100] =	vst v63  }
0x3d: {  	s2 =	rddreg [dreg:$0x9];
	v4 =	vadd.s32 v2, v4  }
0x3e: {  	[tilespmem:s2], [sflag:$0x1] =	stream.indirect_vreg.gather [hbm4b:s5+s4], $0x80, v9, vm0, $0xb8;
	[tilespmem:$0x12100] =	vst v63  }
0x3f: {  	s12 =	rddreg [dreg:$0xa]  }
0x40: {  	[tilespmem:s12], [sflag:$0x1] =	stream.indirect_vreg.gather [hbm4b:s6+s4], $0x80, v9, vm0, $0xb8;
	[tilespmem:$0x12100] =	vst v63  }
0x41: {  	s2 =	rddreg [dreg:$0xb]  }
0x42: {  	[tilespmem:s2], [sflag:$0x1] =	stream.indirect_vreg.gather [hbm4b:s1+s4], $0x80, v4, vm0, $0xb8;
	[tilespmem:$0x12100] =	vst v63  }
0x43: {  	s12 =	rddreg [dreg:$0xc]  }
0x44: {  	[tilespmem:s12], [sflag:$0x1] =	stream.indirect_vreg.gather [hbm4b:s5+s4], $0x80, v4, vm0, $0xb8;
	[tilespmem:$0x12100] =	vst v63  }
0x45: {  	s2 =	rddreg [dreg:$0xd]  }
0x46: {  	[tilespmem:s2], [sflag:$0x1] =	stream.indirect_vreg.gather [hbm4b:s6+s4], $0x80, v4, vm0, $0xb8;
	[tilespmem:$0x12100] =	vst v63  }
0x47: {  	v4 =	vld [tilespmem:$0x10];
	_ =	sdelay $0x4  }
0x48: {  	v5 =	vshrl.u32 v4, $0x3  }
0x49: {  	v5 =	vmul.u32 $0x30, v5  }
0x4a: {  	v4 =	vand.u32 $0x7, v4  }
0x4b: {  	v4 =	vor.u32 v4, v5  }
0x4c: {  	v5 =	vperm.xlane v4, v1;
	_ =	sdelay $0x1  }
0x4d: {  	v5 =	vadd.s32 v2, v5;
	_ =	sdelay $0x3  }
0x4e: {  	s2 =	rddreg [dreg:$0xe];
	v4 =	vperm.xlane v4, v3  }
0x4f: {  	[tilespmem:s2], [sflag:$0x1] =	stream.indirect_vreg.gather [hbm4b:s1+s4], $0x80, v5, vm0, $0xb8;
	[tilespmem:$0x12100] =	vst v63  }
0x50: {  	s12 =	rddreg [dreg:$0xf];
	v4 =	vadd.s32 v2, v4  }
0x51: {  	[tilespmem:s12], [sflag:$0x1] =	stream.indirect_vreg.gather [hbm4b:s5+s4], $0x80, v5, vm0, $0xb8;
	[tilespmem:$0x12100] =	vst v63  }
0x52: {  	s2 =	rddreg [dreg:$0x10]  }
0x53: {  	[tilespmem:s2], [sflag:$0x1] =	stream.indirect_vreg.gather [hbm4b:s6+s4], $0x80, v5, vm0, $0xb8;
	[tilespmem:$0x12100] =	vst v63  }
0x54: {  	s12 =	rddreg [dreg:$0x11]  }
0x55: {  	[tilespmem:s12], [sflag:$0x1] =	stream.indirect_vreg.gather [hbm4b:s1+s4], $0x80, v4, vm0, $0xb8;
	[tilespmem:$0x12100] =	vst v63  }
0x56: {  	s2 =	rddreg [dreg:$0x12]  }
0x57: {  	[tilespmem:s2], [sflag:$0x1] =	stream.indirect_vreg.gather [hbm4b:s5+s4], $0x80, v4, vm0, $0xb8;
	[tilespmem:$0x12100] =	vst v63  }
0x58: {  	s12 =	rddreg [dreg:$0x13]  }
0x59: {  	[tilespmem:s12], [sflag:$0x1] =	stream.indirect_vreg.gather [hbm4b:s6+s4], $0x80, v4, vm0, $0xb8;
	[tilespmem:$0x12100] =	vst v63  }
0x5a: {  	v4 =	vld [tilespmem:$0x20];
	_ =	sdelay $0x4  }
0x5b: {  	v5 =	vshrl.u32 v4, $0x3  }
0x5c: {  	v5 =	vmul.u32 $0x30, v5  }
0x5d: {  	v4 =	vand.u32 $0x7, v4  }
0x5e: {  	v4 =	vor.u32 v4, v5  }
0x5f: {  	v5 =	vperm.xlane v4, v1;
	_ =	sdelay $0x1  }
0x60: {  	v5 =	vadd.s32 v2, v5;
	_ =	sdelay $0x3  }
0x61: {  	s2 =	rddreg [dreg:$0x14];
	v4 =	vperm.xlane v4, v3  }
0x62: {  	[tilespmem:s2], [sflag:$0x1] =	stream.indirect_vreg.gather [hbm4b:s1+s4], $0x80, v5, vm0, $0xb8;
	[tilespmem:$0x12100] =	vst v63  }
0x63: {  	s12 =	rddreg [dreg:$0x15];
	v4 =	vadd.s32 v2, v4  }
0x64: {  	[tilespmem:s12], [sflag:$0x1] =	stream.indirect_vreg.gather [hbm4b:s5+s4], $0x80, v5, vm0, $0xb8;
	[tilespmem:$0x12100] =	vst v63  }
0x65: {  	s2 =	rddreg [dreg:$0x16]  }
0x66: {  	[tilespmem:s2], [sflag:$0x1] =	stream.indirect_vreg.gather [hbm4b:s6+s4], $0x80, v5, vm0, $0xb8;
	[tilespmem:$0x12100] =	vst v63  }
0x67: {  	s12 =	rddreg [dreg:$0x17]  }
0x68: {  	[tilespmem:s12], [sflag:$0x1] =	stream.indirect_vreg.gather [hbm4b:s1+s4], $0x80, v4, vm0, $0xb8;
	[tilespmem:$0x12100] =	vst v63  }
0x69: {  	s2 =	rddreg [dreg:$0x18]  }
0x6a: {  	[tilespmem:s2], [sflag:$0x1] =	stream.indirect_vreg.gather [hbm4b:s5+s4], $0x80, v4, vm0, $0xb8;
	[tilespmem:$0x12100] =	vst v63  }
0x6b: {  	s12 =	rddreg [dreg:$0x19]  }
0x6c: {  	[tilespmem:s12], [sflag:$0x1] =	stream.indirect_vreg.gather [hbm4b:s6+s4], $0x80, v4, vm0, $0xb8;
	[tilespmem:$0x12100] =	vst v63  }
0x6d: {  	v4 =	vld [tilespmem:$0x30];
	_ =	sdelay $0x4  }
0x6e: {  	v5 =	vshrl.u32 v4, $0x3  }
0x6f: {  	v5 =	vmul.u32 $0x30, v5  }
0x70: {  	v4 =	vand.u32 $0x7, v4  }
0x71: {  	v4 =	vor.u32 v4, v5  }
0x72: {  	v5 =	vperm.xlane v4, v1;
	_ =	sdelay $0x1  }
0x73: {  	v5 =	vadd.s32 v2, v5;
	_ =	sdelay $0x3  }
0x74: {  	s12 =	simm.s32 $0x9080;
	v4 =	vperm.xlane v4, v3  }
0x75: {  	[tilespmem:s12], [sflag:$0x1] =	stream.indirect_vreg.gather [hbm4b:s1+s4], $0x80, v5, vm0, $0xb8;
	[tilespmem:$0x12100] =	vst v63  }
0x76: {  	v4 =	vadd.s32 v2, v4  }
0x77: {  	[tilespmem:s13], [sflag:$0x1] =	stream.indirect_vreg.gather [hbm4b:s5+s4], $0x80, v5, vm0, $0xb8;
	[tilespmem:$0x12100] =	vst v63  }
0x78: {  	_ = 	snop  }
0x79: {  	[tilespmem:s14], [sflag:$0x1] =	stream.indirect_vreg.gather [hbm4b:s6+s4], $0x80, v5, vm0, $0xb8;
	[tilespmem:$0x12100] =	vst v63  }
0x7a: {  	_ = 	snop  }
0x7b: {  	[tilespmem:s15], [sflag:$0x1] =	stream.indirect_vreg.gather [hbm4b:s1+s4], $0x80, v4, vm0, $0xb8;
	[tilespmem:$0x12100] =	vst v63  }
0x7c: {  	_ = 	snop  }
0x7d: {  	[tilespmem:s16], [sflag:$0x1] =	stream.indirect_vreg.gather [hbm4b:s5+s4], $0x80, v4, vm0, $0xb8;
	[tilespmem:$0x12100] =	vst v63  }
0x7e: {  	_ = 	snop  }
0x7f: {  	[tilespmem:s17], [sflag:$0x1] =	stream.indirect_vreg.gather [hbm4b:s6+s4], $0x80, v4, vm0, $0xb8;
	[tilespmem:$0x12100] =	vst v63  }
0x80: {  	_ =	swait.ge [sflag:s18], $0xC000  }
0x81: {  	[sflag:s18] =	ssyncset.done $0x0  }
0x82: {  	s12 =	rddreg [dreg:$0x6];
	[sflag:s18] =	ssyncadd.s32 $0xFFFF4000  }
0x83: {  	[hbm4b:s12+s4] =	stream.linear.scatter [tilespmem:s11], [sflag:$0x2], $0xC000, $0x38;
	[tilespmem:$0x12100] =	vst v63  }
0x84: {  	_ =	swait.ge [sflag:s10], $0xC000  }
0x85: {  	[sflag:s10] =	ssyncset.done $0x0  }
0x86: {  	s12 =	rddreg [dreg:$0x7];
	[sflag:s10] =	ssyncadd.s32 $0xFFFF4000  }
0x87: {  	[tilespmem:s19], [sflag:$0x2] =	stream.linear.gather [hbm4b:s12+s4], $0x20, $0x38;
	[tilespmem:$0x12100] =	vst v63  }
0x88: {  	_ =	swait.ge [sflag:s10], $0x20  }
0x89: {  	[sflag:s10] =	ssyncset.done $0x0  }
0x8a: {  	[sflag:s10] =	ssyncadd.s32 $0xFFFFFFE0  }
0x8b: {  	v4 =	vld [tilespmem:$0xC080];
	_ =	sdelay $0x4  }
0x8c: {  	v5 =	vadd.s32 v0, v4  }
0x8d: {  	v61 =	vshrl.u32 v5, $0x3  }
0x8e: {  	v6 =	vmul.u32 $0x30, v61  }
0x8f: {  	v4 =	vand.u32 $0x7, v4  }
0x90: {  	v4 =	vor.u32 v4, v6  }
0x91: {  	v62 =	vld [tilespmem:$0xC090];
	v63 =	vperm.xlane v4, v1;
	_ =	sdelay $0x1  }
0x92: {  	v7 =	vadd.s32 v2, v63;
	_ =	sdelay $0x2  }
0x93: {  	[tilespmem:$0xC080] =	vst v5;
	v5 =	vadd.s32 v0, v62  }
0x94: {  	[tilespmem:$0xC090] =	vst v5;
	v4 =	vperm.xlane v4, v3  }
0x95: {  	[tilespmem:s20], [sflag:$0x1] =	stream.indirect_vreg.gather [hbm4b:s3+s4], $0x80, v7, vm0, $0xb8;
	[tilespmem:$0x12100] =	vst v63  }
0x96: {  	v4 =	vadd.s32 v2, v4  }
0x97: {  	[tilespmem:s21], [sflag:$0x1] =	stream.indirect_vreg.gather [hbm4b:s7+s4], $0x80, v7, vm0, $0xb8;
	[tilespmem:$0x12100] =	vst v63  }
0x98: {  	_ = 	snop  }
0x99: {  	[tilespmem:s22], [sflag:$0x1] =	stream.indirect_vreg.gather [hbm4b:s8+s4], $0x80, v7, vm0, $0xb8;
	[tilespmem:$0x12100] =	vst v63  }
0x9a: {  	_ = 	snop  }
0x9b: {  	[tilespmem:s23], [sflag:$0x1] =	stream.indirect_vreg.gather [hbm4b:s3+s4], $0x80, v4, vm0, $0xb8;
	[tilespmem:$0x12100] =	vst v63  }
0x9c: {  	_ = 	snop  }
0x9d: {  	[tilespmem:s24], [sflag:$0x1] =	stream.indirect_vreg.gather [hbm4b:s7+s4], $0x80, v4, vm0, $0xb8;
	[tilespmem:$0x12100] =	vst v63  }
0x9e: {  	_ = 	snop  }
0x9f: {  	[tilespmem:s25], [sflag:$0x1] =	stream.indirect_vreg.gather [hbm4b:s8+s4], $0x80, v4, vm0, $0xb8;
	[tilespmem:$0x12100] =	vst v63  }
0xa0: {  	v4 =	vld [tilespmem:$0xC090];
	_ =	sdelay $0x4  }
0xa1: {  	v5 =	vshrl.u32 v4, $0x3  }
0xa2: {  	v5 =	vmul.u32 $0x30, v5  }
0xa3: {  	v4 =	vand.u32 $0x7, v4  }
0xa4: {  	v4 =	vor.u32 v4, v5  }
0xa5: {  	v5 =	vperm.xlane v4, v1;
	_ =	sdelay $0x1  }
0xa6: {  	v5 =	vadd.s32 v2, v5;
	_ =	sdelay $0x3  }
0xa7: {  	v4 =	vperm.xlane v4, v3  }
0xa8: {  	[tilespmem:s26], [sflag:$0x1] =	stream.indirect_vreg.gather [hbm4b:s3+s4], $0x80, v5, vm0, $0xb8;
	[tilespmem:$0x12100] =	vst v63  }
0xa9: {  	v4 =	vadd.s32 v2, v4  }
0xaa: {  	[tilespmem:s28], [sflag:$0x1] =	stream.indirect_vreg.gather [hbm4b:s7+s4], $0x80, v5, vm0, $0xb8;
	[tilespmem:$0x12100] =	vst v63  }
0xab: {  	_ = 	snop  }
0xac: {  	[tilespmem:s29], [sflag:$0x1] =	stream.indirect_vreg.gather [hbm4b:s8+s4], $0x80, v5, vm0, $0xb8;
	[tilespmem:$0x12100] =	vst v63  }
0xad: {  	_ = 	snop  }
0xae: {  	[tilespmem:s30], [sflag:$0x1] =	stream.indirect_vreg.gather [hbm4b:s3+s4], $0x80, v4, vm0, $0xb8;
	[tilespmem:$0x12100] =	vst v63  }
0xaf: {  	_ = 	snop  }
0xb0: {  	[tilespmem:s31], [sflag:$0x1] =	stream.indirect_vreg.gather [hbm4b:s7+s4], $0x80, v4, vm0, $0xb8;
	[tilespmem:$0x12100] =	vst v63  }
0xb1: {  	_ = 	snop  }
0xb2: {  	[tilespmem:s0], [sflag:$0x1] =	stream.indirect_vreg.gather [hbm4b:s8+s4], $0x80, v4, vm0, $0xb8;
	[tilespmem:$0x12100] =	vst v63  }
0xb3: {  	_ =	swait.ge [sflag:s18], $0x6000  }
0xb4: {  	p0 =	sne.s32 s9, $0x1;
	[sflag:s18] =	ssyncset.done $0x0  }
.Ltmp0:
0xb5: {  	s12 =	rddreg [dreg:$0x8];
	[sflag:s18] =	ssyncadd.s32 $0xFFFFA000;
	(pc) =	sbr.rel @p0 .LBB2_1-.Ltmp0, $4  }
0xb6: {  	[hbm4b:s12+s4] =	stream.linear.scatter [tilespmem:s20], [sflag:$0x2], $0x6000, $0x38;
	[tilespmem:$0x12100] =	vst v63  }
0xb7: {  	_ =	swait.ge [sflag:s10], $0x6000  }
0xb8: {  	[sflag:s10] =	ssyncset.done $0x0  }
0xb9: {  	s9 =	sadd.s32 $0xFFFFFFFF, s9;
	[sflag:s10] =	ssyncadd.s32 $0xFFFFA000  }
0xba: {  	_ =	sfence.sel $0x180000  }
0xbb: {  	[bflag:$0x0] =	sbarrier.arrive $0xFFFF  }
0xbc: {  	_ =	strace $0x9000004A  }
0xbd: {  	s0 =	stileid.u32;
	[bflag:$0x2] =	sbarrier.arrive $0xFFFF  }
0xbe: {  	p0 =	sne.s32 s0, $0x0;
	s0 =	rddreg [dreg:$0x4]  }
0xbf: {  	s0 =	sadd.s32 @!p0 $0x100000, s0  }
0xc0: {  	[sflag:s0] =	ssyncadd.tile.s32 @!p0 $0x1;
	_ =	shalt  }
.Lfunc_end2:
_tile_overlayer_lowered:
.L_overlay_start_2:
0xc1: {  	(tag) =	ssettag $0x2  }
0xc2: {  	s0 =	rddreg [dreg:$0x0];
	s2 =	stileid.u32  }
0xc3: {  	s1 =	rddreg [dreg:$0x1];
	p0 =	sne.s32 s2, $0x0  }
0xc4: {  	s3 =	rddreg [dreg:$0x2];
	[bflag:$0x3] =	sbarrier.arrive $0xFFFF;
	s2 =	simm.s32 @!p0 $0x1C02  }
0xc5: {  	[timem:s3], [sflag:s2] =	dma.local @!p0 [hbm:s0], s1  }
0xc6: {  	s0 =	simm.s32 @!p0 $0x2  }
0xc7: {  	_ =	swait.ge @!p0 [sflag:s0], s1  }
0xc8: {  	s1 =	ssub.s32 @!p0 $0x0, s1;
	[sflag:s0] =	ssyncset.done @!p0 $0x0  }
0xc9: {  	[sflag:s0] =	ssyncadd.s32 @!p0 s1  }
0xca: {  	[bflag:$0x3] =	sbarrier.arrive $0xFFFF  }
0xcb: {  	_ =	shalt  }

</sc_bundles>
